<compile_context>
chip_gen: v7x
topology: tpu7x:2x2x1
jax: 0.10.2.dev20260603
libtpu: 0.0.44.dev20260713+nightly
codegen_flags: <defaults>
</compile_context>

<pallas_src>
import jax
import jax.numpy as jnp
from jax import lax
from jax.experimental import pallas as pl
from jax.experimental.pallas import tpu as pltpu
from jax.experimental.pallas import tpu_sc as plsc

DIM = 768
NUM_CORES = 2
NUM_SUBCORES = 16
NUM_WORKERS = NUM_CORES * NUM_SUBCORES
NBUF = 4
CHUNK = 40


def kernel(channel_seq, table):
    nseq, seqlen = channel_seq.shape
    num_indices = channel_seq.size
    flat_idx = channel_seq.T.reshape(num_indices).astype(jnp.int32)
    b_per_w = num_indices // NUM_WORKERS
    nchunks = b_per_w // CHUNK
    mesh = plsc.VectorSubcoreMesh(core_axis_name="c", subcore_axis_name="s")

    @jax.jit
    def gather(table, idx):
        @pl.kernel(
            out_type=jax.ShapeDtypeStruct((num_indices, DIM), table.dtype),
            mesh=mesh,
            scratch_types=(
                [pltpu.VMEM((b_per_w,), jnp.int32)]
                + [pltpu.VMEM((CHUNK, DIM), jnp.float32) for _ in range(NBUF)]
                + [pltpu.SemaphoreType.DMA for _ in range(2 * NBUF)]
            ),
        )
        def sc_gather(table_hbm, idx_hbm, out_hbm, idx_v, *bufs_and_sems):
            rows = bufs_and_sems[:NBUF]
            gsem = bufs_and_sems[NBUF:2 * NBUF]
            ssem = bufs_and_sems[2 * NBUF:]
            wid = lax.axis_index("s") * NUM_CORES + lax.axis_index("c")
            base = wid * b_per_w
            pltpu.sync_copy(idx_hbm.at[pl.ds(base, b_per_w)], idx_v)

            def start_gather(g, b):
                pltpu.async_copy(
                    table_hbm.at[idx_v.at[pl.ds(g * CHUNK, CHUNK)]], rows[b], gsem[b])

            def start_store(g, b):
                pltpu.async_copy(
                    rows[b], out_hbm.at[pl.ds(base + g * CHUNK, CHUNK)], ssem[b])

            def wait_gather(b):
                pltpu.make_async_copy(table_hbm.at[idx_v.at[pl.ds(0, CHUNK)]],
                                      rows[b], gsem[b]).wait()

            def wait_store(b):
                pltpu.make_async_copy(rows[b], out_hbm.at[pl.ds(base, CHUNK)],
                                      ssem[b]).wait()

            K = 3

            for b in range(K):
                start_gather(b, b)

            @pl.loop(0, nchunks, step=NBUF)
            def _(g0):
                for b in range(NBUF):
                    g = g0 + b
                    bk = (b + K) % NBUF

                    @pl.when(jnp.logical_and(g + K < nchunks, g + K >= NBUF))
                    def _():
                        wait_store(bk)

                    @pl.when(g + K < nchunks)
                    def _():
                        start_gather(g + K, bk)

                    wait_gather(b)
                    start_store(g, b)

            for b in range(NBUF):
                wait_store(b)

        return sc_gather(table, idx)

    out = gather(table, flat_idx)
    return out.reshape(seqlen, nseq, DIM).transpose(1, 0, 2)

# --- scband reference (transcript-rebuilt; emitter-appended) ---
"""Pipeline reference for scband-text-embeddings-pretrain-26534307955175 (READ-ONLY COPY).

The authoritative reference and input builder live on the scoring server;
editing this copy changes nothing except your own understanding.
"""

import jax, jax.numpy as jnp
import numpy as np

VOCAB = 30522
DIM = 768

def setup_inputs(seed: int = 0) -> dict:
    key = jax.random.key(seed)
    k1, k2 = jax.random.split(key)
    channel_seq = jax.random.randint(k1, (4096, 50), 0, VOCAB, dtype=jnp.int64 if jax.config.jax_enable_x64 else jnp.int32)
    table = jax.random.normal(k2, (VOCAB, DIM), dtype=jnp.float32) * 0.02
    return {"channel_seq": channel_seq, "table": table}

def reference(channel_seq, table):
    # nn.Embedding lookup: gather rows of the table by token id
    return jnp.take(table, channel_seq, axis=0)

if __name__ == "__main__":
    import jax
    _d = setup_inputs()
    print(jax.jit(kernel)(*tuple(_d.values())))

</pallas_src>

<mosaic_0001>
#map = affine_map<(d0, d1) -> (0, 0)>
#map1 = affine_map<(d0, d1) -> (0)>
module attributes {stable_mosaic.version = 14 : i64} {
  func.func @sc_gather(%arg0: i32, %arg1: i32, %arg2: memref<30522x768xf32, #tpu.memory_space<hbm>>, %arg3: memref<204800xi32, #tpu.memory_space<hbm>>, %arg4: memref<204800x768xf32, #tpu.memory_space<hbm>>, %arg5: memref<6400xi32, #tpu.memory_space<vmem>>, %arg6: memref<40x768xf32, #tpu.memory_space<vmem>>, %arg7: memref<40x768xf32, #tpu.memory_space<vmem>>, %arg8: memref<40x768xf32, #tpu.memory_space<vmem>>, %arg9: memref<40x768xf32, #tpu.memory_space<vmem>>, %arg10: memref<!tpu.dma_semaphore, #tpu.memory_space<semaphore_mem>>, %arg11: memref<!tpu.dma_semaphore, #tpu.memory_space<semaphore_mem>>, %arg12: memref<!tpu.dma_semaphore, #tpu.memory_space<semaphore_mem>>, %arg13: memref<!tpu.dma_semaphore, #tpu.memory_space<semaphore_mem>>, %arg14: memref<!tpu.dma_semaphore, #tpu.memory_space<semaphore_mem>>, %arg15: memref<!tpu.dma_semaphore, #tpu.memory_space<semaphore_mem>>, %arg16: memref<!tpu.dma_semaphore, #tpu.memory_space<semaphore_mem>>, %arg17: memref<!tpu.dma_semaphore, #tpu.memory_space<semaphore_mem>>) attributes {dimension_semantics = [#tpu.dimension_semantics<core_parallel>, #tpu.dimension_semantics<subcore_parallel>], iteration_bounds = array<i64: 2, 16>, scalar_prefetch = 0 : i64, scratch_operands = 13 : i64, tpu.core_type = #tpu.core_type<sc_vector_subcore>, window_params = [{transform_indices = #map}, {transform_indices = #map1}, {transform_indices = #map}]} {
    %mul3A = arith.constant 2 : i32
    %mul3A_0 = arith.muli %arg1, %mul3A : i32
    %add3A = arith.addi %mul3A_0, %arg0 : i32
    %mul3A_1 = arith.constant 6400 : i32
    %mul3A_2 = arith.muli %add3A, %mul3A_1 : i32
    "tpu.region"() ({
      %run_scoped3A = tpu.sem_alloc : memref<!tpu.dma_semaphore, #tpu.memory_space<semaphore_mem>>
      %dma_start3A_36 = tpu.memref_slice %arg3[%mul3A_2] : memref<204800xi32, #tpu.memory_space<hbm>> -> memref<6400xi32, #tpu.memory_space<hbm>>
      %dma_start3A_37 = tpu.memref_slice %arg3[%mul3A_2] : memref<204800xi32, #tpu.memory_space<hbm>> -> memref<6400xi32, #tpu.memory_space<hbm>>
      tpu.enqueue_dma source(%dma_start3A_37 : memref<6400xi32, #tpu.memory_space<hbm>>) target(%arg5 : memref<6400xi32, #tpu.memory_space<vmem>>) target_semaphore(%run_scoped3A : memref<!tpu.dma_semaphore, #tpu.memory_space<semaphore_mem>>)
      %dma_wait3A_38 = tpu.memref_slice %arg3[%mul3A_2] : memref<204800xi32, #tpu.memory_space<hbm>> -> memref<6400xi32, #tpu.memory_space<hbm>>
      %dma_wait3A_39 = tpu.memref_slice %arg3[%mul3A_2] : memref<204800xi32, #tpu.memory_space<hbm>> -> memref<6400xi32, #tpu.memory_space<hbm>>
      tpu.wait_dma2 semaphore(%run_scoped3A : memref<!tpu.dma_semaphore, #tpu.memory_space<semaphore_mem>>) src(%dma_wait3A_39 : memref<6400xi32, #tpu.memory_space<hbm>>) dst(%arg5 : memref<6400xi32, #tpu.memory_space<vmem>>)
      tpu.yield
    }) : () -> ()
    %dma_start3A = arith.constant 0 : i32
    %dma_start3A_3 = tpu.memref_slice %arg5[%dma_start3A] : memref<6400xi32, #tpu.memory_space<vmem>> -> memref<40xi32, #tpu.memory_space<vmem>>
    %dma_start3A_4 = arith.constant 0 : i32
    %dma_start3A_5 = arith.constant 0 : i32
    %dma_start3A_6 = tpu.memref_slice %arg2[%dma_start3A_4, %dma_start3A_5] : memref<30522x768xf32, #tpu.memory_space<hbm>> -> memref<30522x768xf32, #tpu.memory_space<hbm>>
    tpu.enqueue_indirect_dma source(%dma_start3A_6 : memref<30522x768xf32, #tpu.memory_space<hbm>>) target(%arg6 : memref<40x768xf32, #tpu.memory_space<vmem>>) offsets(%dma_start3A_3 : memref<40xi32, #tpu.memory_space<vmem>>) semaphore(%arg10 : memref<!tpu.dma_semaphore, #tpu.memory_space<semaphore_mem>>)
    %dma_start3A_7 = arith.constant 40 : i32
    %dma_start3A_8 = tpu.memref_slice %arg5[%dma_start3A_7] : memref<6400xi32, #tpu.memory_space<vmem>> -> memref<40xi32, #tpu.memory_space<vmem>>
    %dma_start3A_9 = arith.constant 0 : i32
    %dma_start3A_10 = arith.constant 0 : i32
    %dma_start3A_11 = tpu.memref_slice %arg2[%dma_start3A_9, %dma_start3A_10] : memref<30522x768xf32, #tpu.memory_space<hbm>> -> memref<30522x768xf32, #tpu.memory_space<hbm>>
    tpu.enqueue_indirect_dma source(%dma_start3A_11 : memref<30522x768xf32, #tpu.memory_space<hbm>>) target(%arg7 : memref<40x768xf32, #tpu.memory_space<vmem>>) offsets(%dma_start3A_8 : memref<40xi32, #tpu.memory_space<vmem>>) semaphore(%arg11 : memref<!tpu.dma_semaphore, #tpu.memory_space<semaphore_mem>>)
    %dma_start3A_12 = arith.constant 80 : i32
    %dma_start3A_13 = tpu.memref_slice %arg5[%dma_start3A_12] : memref<6400xi32, #tpu.memory_space<vmem>> -> memref<40xi32, #tpu.memory_space<vmem>>
    %dma_start3A_14 = arith.constant 0 : i32
    %dma_start3A_15 = arith.constant 0 : i32
    %dma_start3A_16 = tpu.memref_slice %arg2[%dma_start3A_14, %dma_start3A_15] : memref<30522x768xf32, #tpu.memory_space<hbm>> -> memref<30522x768xf32, #tpu.memory_space<hbm>>
    tpu.enqueue_indirect_dma source(%dma_start3A_16 : memref<30522x768xf32, #tpu.memory_space<hbm>>) target(%arg8 : memref<40x768xf32, #tpu.memory_space<vmem>>) offsets(%dma_start3A_13 : memref<40xi32, #tpu.memory_space<vmem>>) semaphore(%arg12 : memref<!tpu.dma_semaphore, #tpu.memory_space<semaphore_mem>>)
    %scan3A = arith.constant 0 : i32
    %scan3A_17 = arith.constant 40 : i32
    %scan3A_18 = arith.addi %scan3A, %scan3A_17 : i32
    %scan3A_19 = arith.constant 1 : i32
    scf.for %scan3A_36 = %scan3A to %scan3A_18 step %scan3A_19  : i32 {
      %mul3A_37 = arith.constant 4 : i32
      %mul3A_38 = arith.muli %scan3A_36, %mul3A_37 : i32
      %add3A_39 = arith.constant 0 : i32
      %add3A_40 = arith.addi %add3A_39, %mul3A_38 : i32
      %add3A_41 = arith.constant 0 : i32
      %add3A_42 = arith.addi %add3A_40, %add3A_41 : i32
      %add3A_43 = arith.constant 3 : i32
      %add3A_44 = arith.addi %add3A_42, %add3A_43 : i32
      %lt3A = arith.constant 160 : i32
      %lt3A_45 = arith.cmpi slt, %add3A_44, %lt3A : i32
      %add3A_46 = arith.constant 3 : i32
      %add3A_47 = arith.addi %add3A_42, %add3A_46 : i32
      %ge3A = arith.constant 4 : i32
      %ge3A_48 = arith.cmpi sge, %add3A_47, %ge3A : i32
      %and3A = arith.andi %lt3A_45, %ge3A_48 : i1
      %convert_element_type3A = arith.extui %and3A : i1 to i32
      %cond3A = arith.constant 0 : i32
      %cond3A_49 = arith.cmpi ne, %convert_element_type3A, %cond3A : i32
      scf.if %cond3A_49 {
        %dma_wait3A_168 = arith.constant 0 : i32
        %dma_wait3A_169 = tpu.memref_slice %arg4[%mul3A_2, %dma_wait3A_168] : memref<204800x768xf32, #tpu.memory_space<hbm>> -> memref<40x768xf32, #tpu.memory_space<hbm>>
        %dma_wait3A_170 = arith.constant 0 : i32
        %dma_wait3A_171 = tpu.memref_slice %arg4[%mul3A_2, %dma_wait3A_170] : memref<204800x768xf32, #tpu.memory_space<hbm>> -> memref<40x768xf32, #tpu.memory_space<hbm>>
        tpu.wait_dma2 semaphore(%arg17 : memref<!tpu.dma_semaphore, #tpu.memory_space<semaphore_mem>>) src(%arg9 : memref<40x768xf32, #tpu.memory_space<vmem>>) dst(%dma_wait3A_171 : memref<40x768xf32, #tpu.memory_space<hbm>>)
      } else {
      }
      %add3A_50 = arith.constant 3 : i32
      %add3A_51 = arith.addi %add3A_42, %add3A_50 : i32
      %lt3A_52 = arith.constant 160 : i32
      %lt3A_53 = arith.cmpi slt, %add3A_51, %lt3A_52 : i32
      %convert_element_type3A_54 = arith.extui %lt3A_53 : i1 to i32
      %cond3A_55 = arith.constant 0 : i32
      %cond3A_56 = arith.cmpi ne, %convert_element_type3A_54, %cond3A_55 : i32
      scf.if %cond3A_56 {
        %add3A_168 = arith.constant 3 : i32
        %add3A_169 = arith.addi %add3A_42, %add3A_168 : i32
        %mul3A_170 = arith.constant 40 : i32
        %mul3A_171 = arith.muli %add3A_169, %mul3A_170 : i32
        %dma_start3A_172 = tpu.memref_slice %arg5[%mul3A_171] : memref<6400xi32, #tpu.memory_space<vmem>> -> memref<40xi32, #tpu.memory_space<vmem>>
        %dma_start3A_173 = arith.constant 0 : i32
        %dma_start3A_174 = arith.constant 0 : i32
        %dma_start3A_175 = tpu.memref_slice %arg2[%dma_start3A_173, %dma_start3A_174] : memref<30522x768xf32, #tpu.memory_space<hbm>> -> memref<30522x768xf32, #tpu.memory_space<hbm>>
        tpu.enqueue_indirect_dma source(%dma_start3A_175 : memref<30522x768xf32, #tpu.memory_space<hbm>>) target(%arg9 : memref<40x768xf32, #tpu.memory_space<vmem>>) offsets(%dma_start3A_172 : memref<40xi32, #tpu.memory_space<vmem>>) semaphore(%arg13 : memref<!tpu.dma_semaphore, #tpu.memory_space<semaphore_mem>>)
      } else {
      }
      %dma_wait3A_57 = arith.constant 0 : i32
      %dma_wait3A_58 = tpu.memref_slice %arg5[%dma_wait3A_57] : memref<6400xi32, #tpu.memory_space<vmem>> -> memref<40xi32, #tpu.memory_space<vmem>>
      %dma_wait3A_59 = arith.constant 0 : i32
      %dma_wait3A_60 = arith.constant 0 : i32
      %dma_wait3A_61 = tpu.memref_slice %arg2[%dma_wait3A_59, %dma_wait3A_60] : memref<30522x768xf32, #tpu.memory_space<hbm>> -> memref<30522x768xf32, #tpu.memory_space<hbm>>
      tpu.wait_indirect_dma semaphore(%arg10 : memref<!tpu.dma_semaphore, #tpu.memory_space<semaphore_mem>>) src(%dma_wait3A_61 : memref<30522x768xf32, #tpu.memory_space<hbm>>) dst(%arg6 : memref<40x768xf32, #tpu.memory_space<vmem>>)
      %mul3A_62 = arith.constant 40 : i32
      %mul3A_63 = arith.muli %add3A_42, %mul3A_62 : i32
      %add3A_64 = arith.addi %mul3A_2, %mul3A_63 : i32
      %dma_start3A_65 = arith.constant 0 : i32
      %dma_start3A_66 = tpu.memref_slice %arg4[%add3A_64, %dma_start3A_65] : memref<204800x768xf32, #tpu.memory_space<hbm>> -> memref<40x768xf32, #tpu.memory_space<hbm>>
      %dma_start3A_67 = arith.constant 0 : i32
      %dma_start3A_68 = tpu.memref_slice %arg4[%add3A_64, %dma_start3A_67] : memref<204800x768xf32, #tpu.memory_space<hbm>> -> memref<40x768xf32, #tpu.memory_space<hbm>>
      tpu.enqueue_dma source(%arg6 : memref<40x768xf32, #tpu.memory_space<vmem>>) target(%dma_start3A_68 : memref<40x768xf32, #tpu.memory_space<hbm>>) target_semaphore(%arg14 : memref<!tpu.dma_semaphore, #tpu.memory_space<semaphore_mem>>)
      %add3A_69 = arith.constant 1 : i32
      %add3A_70 = arith.addi %add3A_40, %add3A_69 : i32
      %add3A_71 = arith.constant 3 : i32
      %add3A_72 = arith.addi %add3A_70, %add3A_71 : i32
      %lt3A_73 = arith.constant 160 : i32
      %lt3A_74 = arith.cmpi slt, %add3A_72, %lt3A_73 : i32
      %add3A_75 = arith.constant 3 : i32
      %add3A_76 = arith.addi %add3A_70, %add3A_75 : i32
      %ge3A_77 = arith.constant 4 : i32
      %ge3A_78 = arith.cmpi sge, %add3A_76, %ge3A_77 : i32
      %and3A_79 = arith.andi %lt3A_74, %ge3A_78 : i1
      %convert_element_type3A_80 = arith.extui %and3A_79 : i1 to i32
      %cond3A_81 = arith.constant 0 : i32
      %cond3A_82 = arith.cmpi ne, %convert_element_type3A_80, %cond3A_81 : i32
      scf.if %cond3A_82 {
        %dma_wait3A_168 = arith.constant 0 : i32
        %dma_wait3A_169 = tpu.memref_slice %arg4[%mul3A_2, %dma_wait3A_168] : memref<204800x768xf32, #tpu.memory_space<hbm>> -> memref<40x768xf32, #tpu.memory_space<hbm>>
        %dma_wait3A_170 = arith.constant 0 : i32
        %dma_wait3A_171 = tpu.memref_slice %arg4[%mul3A_2, %dma_wait3A_170] : memref<204800x768xf32, #tpu.memory_space<hbm>> -> memref<40x768xf32, #tpu.memory_space<hbm>>
        tpu.wait_dma2 semaphore(%arg14 : memref<!tpu.dma_semaphore, #tpu.memory_space<semaphore_mem>>) src(%arg6 : memref<40x768xf32, #tpu.memory_space<vmem>>) dst(%dma_wait3A_171 : memref<40x768xf32, #tpu.memory_space<hbm>>)
      } else {
      }
      %add3A_83 = arith.constant 3 : i32
      %add3A_84 = arith.addi %add3A_70, %add3A_83 : i32
      %lt3A_85 = arith.constant 160 : i32
      %lt3A_86 = arith.cmpi slt, %add3A_84, %lt3A_85 : i32
      %convert_element_type3A_87 = arith.extui %lt3A_86 : i1 to i32
      %cond3A_88 = arith.constant 0 : i32
      %cond3A_89 = arith.cmpi ne, %convert_element_type3A_87, %cond3A_88 : i32
      scf.if %cond3A_89 {
        %add3A_168 = arith.constant 3 : i32
        %add3A_169 = arith.addi %add3A_70, %add3A_168 : i32
        %mul3A_170 = arith.constant 40 : i32
        %mul3A_171 = arith.muli %add3A_169, %mul3A_170 : i32
        %dma_start3A_172 = tpu.memref_slice %arg5[%mul3A_171] : memref<6400xi32, #tpu.memory_space<vmem>> -> memref<40xi32, #tpu.memory_space<vmem>>
        %dma_start3A_173 = arith.constant 0 : i32
        %dma_start3A_174 = arith.constant 0 : i32
        %dma_start3A_175 = tpu.memref_slice %arg2[%dma_start3A_173, %dma_start3A_174] : memref<30522x768xf32, #tpu.memory_space<hbm>> -> memref<30522x768xf32, #tpu.memory_space<hbm>>
        tpu.enqueue_indirect_dma source(%dma_start3A_175 : memref<30522x768xf32, #tpu.memory_space<hbm>>) target(%arg6 : memref<40x768xf32, #tpu.memory_space<vmem>>) offsets(%dma_start3A_172 : memref<40xi32, #tpu.memory_space<vmem>>) semaphore(%arg10 : memref<!tpu.dma_semaphore, #tpu.memory_space<semaphore_mem>>)
      } else {
      }
      %dma_wait3A_90 = arith.constant 0 : i32
      %dma_wait3A_91 = tpu.memref_slice %arg5[%dma_wait3A_90] : memref<6400xi32, #tpu.memory_space<vmem>> -> memref<40xi32, #tpu.memory_space<vmem>>
      %dma_wait3A_92 = arith.constant 0 : i32
      %dma_wait3A_93 = arith.constant 0 : i32
      %dma_wait3A_94 = tpu.memref_slice %arg2[%dma_wait3A_92, %dma_wait3A_93] : memref<30522x768xf32, #tpu.memory_space<hbm>> -> memref<30522x768xf32, #tpu.memory_space<hbm>>
      tpu.wait_indirect_dma semaphore(%arg11 : memref<!tpu.dma_semaphore, #tpu.memory_space<semaphore_mem>>) src(%dma_wait3A_94 : memref<30522x768xf32, #tpu.memory_space<hbm>>) dst(%arg7 : memref<40x768xf32, #tpu.memory_space<vmem>>)
      %mul3A_95 = arith.constant 40 : i32
      %mul3A_96 = arith.muli %add3A_70, %mul3A_95 : i32
      %add3A_97 = arith.addi %mul3A_2, %mul3A_96 : i32
      %dma_start3A_98 = arith.constant 0 : i32
      %dma_start3A_99 = tpu.memref_slice %arg4[%add3A_97, %dma_start3A_98] : memref<204800x768xf32, #tpu.memory_space<hbm>> -> memref<40x768xf32, #tpu.memory_space<hbm>>
      %dma_start3A_100 = arith.constant 0 : i32
      %dma_start3A_101 = tpu.memref_slice %arg4[%add3A_97, %dma_start3A_100] : memref<204800x768xf32, #tpu.memory_space<hbm>> -> memref<40x768xf32, #tpu.memory_space<hbm>>
      tpu.enqueue_dma source(%arg7 : memref<40x768xf32, #tpu.memory_space<vmem>>) target(%dma_start3A_101 : memref<40x768xf32, #tpu.memory_space<hbm>>) target_semaphore(%arg15 : memref<!tpu.dma_semaphore, #tpu.memory_space<semaphore_mem>>)
      %add3A_102 = arith.constant 2 : i32
      %add3A_103 = arith.addi %add3A_40, %add3A_102 : i32
      %add3A_104 = arith.constant 3 : i32
      %add3A_105 = arith.addi %add3A_103, %add3A_104 : i32
      %lt3A_106 = arith.constant 160 : i32
      %lt3A_107 = arith.cmpi slt, %add3A_105, %lt3A_106 : i32
      %add3A_108 = arith.constant 3 : i32
      %add3A_109 = arith.addi %add3A_103, %add3A_108 : i32
      %ge3A_110 = arith.constant 4 : i32
      %ge3A_111 = arith.cmpi sge, %add3A_109, %ge3A_110 : i32
      %and3A_112 = arith.andi %lt3A_107, %ge3A_111 : i1
      %convert_element_type3A_113 = arith.extui %and3A_112 : i1 to i32
      %cond3A_114 = arith.constant 0 : i32
      %cond3A_115 = arith.cmpi ne, %convert_element_type3A_113, %cond3A_114 : i32
      scf.if %cond3A_115 {
        %dma_wait3A_168 = arith.constant 0 : i32
        %dma_wait3A_169 = tpu.memref_slice %arg4[%mul3A_2, %dma_wait3A_168] : memref<204800x768xf32, #tpu.memory_space<hbm>> -> memref<40x768xf32, #tpu.memory_space<hbm>>
        %dma_wait3A_170 = arith.constant 0 : i32
        %dma_wait3A_171 = tpu.memref_slice %arg4[%mul3A_2, %dma_wait3A_170] : memref<204800x768xf32, #tpu.memory_space<hbm>> -> memref<40x768xf32, #tpu.memory_space<hbm>>
        tpu.wait_dma2 semaphore(%arg15 : memref<!tpu.dma_semaphore, #tpu.memory_space<semaphore_mem>>) src(%arg7 : memref<40x768xf32, #tpu.memory_space<vmem>>) dst(%dma_wait3A_171 : memref<40x768xf32, #tpu.memory_space<hbm>>)
      } else {
      }
      %add3A_116 = arith.constant 3 : i32
      %add3A_117 = arith.addi %add3A_103, %add3A_116 : i32
      %lt3A_118 = arith.constant 160 : i32
      %lt3A_119 = arith.cmpi slt, %add3A_117, %lt3A_118 : i32
      %convert_element_type3A_120 = arith.extui %lt3A_119 : i1 to i32
      %cond3A_121 = arith.constant 0 : i32
      %cond3A_122 = arith.cmpi ne, %convert_element_type3A_120, %cond3A_121 : i32
      scf.if %cond3A_122 {
        %add3A_168 = arith.constant 3 : i32
        %add3A_169 = arith.addi %add3A_103, %add3A_168 : i32
        %mul3A_170 = arith.constant 40 : i32
        %mul3A_171 = arith.muli %add3A_169, %mul3A_170 : i32
        %dma_start3A_172 = tpu.memref_slice %arg5[%mul3A_171] : memref<6400xi32, #tpu.memory_space<vmem>> -> memref<40xi32, #tpu.memory_space<vmem>>
        %dma_start3A_173 = arith.constant 0 : i32
        %dma_start3A_174 = arith.constant 0 : i32
        %dma_start3A_175 = tpu.memref_slice %arg2[%dma_start3A_173, %dma_start3A_174] : memref<30522x768xf32, #tpu.memory_space<hbm>> -> memref<30522x768xf32, #tpu.memory_space<hbm>>
        tpu.enqueue_indirect_dma source(%dma_start3A_175 : memref<30522x768xf32, #tpu.memory_space<hbm>>) target(%arg7 : memref<40x768xf32, #tpu.memory_space<vmem>>) offsets(%dma_start3A_172 : memref<40xi32, #tpu.memory_space<vmem>>) semaphore(%arg11 : memref<!tpu.dma_semaphore, #tpu.memory_space<semaphore_mem>>)
      } else {
      }
      %dma_wait3A_123 = arith.constant 0 : i32
      %dma_wait3A_124 = tpu.memref_slice %arg5[%dma_wait3A_123] : memref<6400xi32, #tpu.memory_space<vmem>> -> memref<40xi32, #tpu.memory_space<vmem>>
      %dma_wait3A_125 = arith.constant 0 : i32
      %dma_wait3A_126 = arith.constant 0 : i32
      %dma_wait3A_127 = tpu.memref_slice %arg2[%dma_wait3A_125, %dma_wait3A_126] : memref<30522x768xf32, #tpu.memory_space<hbm>> -> memref<30522x768xf32, #tpu.memory_space<hbm>>
      tpu.wait_indirect_dma semaphore(%arg12 : memref<!tpu.dma_semaphore, #tpu.memory_space<semaphore_mem>>) src(%dma_wait3A_127 : memref<30522x768xf32, #tpu.memory_space<hbm>>) dst(%arg8 : memref<40x768xf32, #tpu.memory_space<vmem>>)
      %mul3A_128 = arith.constant 40 : i32
      %mul3A_129 = arith.muli %add3A_103, %mul3A_128 : i32
      %add3A_130 = arith.addi %mul3A_2, %mul3A_129 : i32
      %dma_start3A_131 = arith.constant 0 : i32
      %dma_start3A_132 = tpu.memref_slice %arg4[%add3A_130, %dma_start3A_131] : memref<204800x768xf32, #tpu.memory_space<hbm>> -> memref<40x768xf32, #tpu.memory_space<hbm>>
      %dma_start3A_133 = arith.constant 0 : i32
      %dma_start3A_134 = tpu.memref_slice %arg4[%add3A_130, %dma_start3A_133] : memref<204800x768xf32, #tpu.memory_space<hbm>> -> memref<40x768xf32, #tpu.memory_space<hbm>>
      tpu.enqueue_dma source(%arg8 : memref<40x768xf32, #tpu.memory_space<vmem>>) target(%dma_start3A_134 : memref<40x768xf32, #tpu.memory_space<hbm>>) target_semaphore(%arg16 : memref<!tpu.dma_semaphore, #tpu.memory_space<semaphore_mem>>)
      %add3A_135 = arith.constant 3 : i32
      %add3A_136 = arith.addi %add3A_40, %add3A_135 : i32
      %add3A_137 = arith.constant 3 : i32
      %add3A_138 = arith.addi %add3A_136, %add3A_137 : i32
      %lt3A_139 = arith.constant 160 : i32
      %lt3A_140 = arith.cmpi slt, %add3A_138, %lt3A_139 : i32
      %add3A_141 = arith.constant 3 : i32
      %add3A_142 = arith.addi %add3A_136, %add3A_141 : i32
      %ge3A_143 = arith.constant 4 : i32
      %ge3A_144 = arith.cmpi sge, %add3A_142, %ge3A_143 : i32
      %and3A_145 = arith.andi %lt3A_140, %ge3A_144 : i1
      %convert_element_type3A_146 = arith.extui %and3A_145 : i1 to i32
      %cond3A_147 = arith.constant 0 : i32
      %cond3A_148 = arith.cmpi ne, %convert_element_type3A_146, %cond3A_147 : i32
      scf.if %cond3A_148 {
        %dma_wait3A_168 = arith.constant 0 : i32
        %dma_wait3A_169 = tpu.memref_slice %arg4[%mul3A_2, %dma_wait3A_168] : memref<204800x768xf32, #tpu.memory_space<hbm>> -> memref<40x768xf32, #tpu.memory_space<hbm>>
        %dma_wait3A_170 = arith.constant 0 : i32
        %dma_wait3A_171 = tpu.memref_slice %arg4[%mul3A_2, %dma_wait3A_170] : memref<204800x768xf32, #tpu.memory_space<hbm>> -> memref<40x768xf32, #tpu.memory_space<hbm>>
        tpu.wait_dma2 semaphore(%arg16 : memref<!tpu.dma_semaphore, #tpu.memory_space<semaphore_mem>>) src(%arg8 : memref<40x768xf32, #tpu.memory_space<vmem>>) dst(%dma_wait3A_171 : memref<40x768xf32, #tpu.memory_space<hbm>>)
      } else {
      }
      %add3A_149 = arith.constant 3 : i32
      %add3A_150 = arith.addi %add3A_136, %add3A_149 : i32
      %lt3A_151 = arith.constant 160 : i32
      %lt3A_152 = arith.cmpi slt, %add3A_150, %lt3A_151 : i32
      %convert_element_type3A_153 = arith.extui %lt3A_152 : i1 to i32
      %cond3A_154 = arith.constant 0 : i32
      %cond3A_155 = arith.cmpi ne, %convert_element_type3A_153, %cond3A_154 : i32
      scf.if %cond3A_155 {
        %add3A_168 = arith.constant 3 : i32
        %add3A_169 = arith.addi %add3A_136, %add3A_168 : i32
        %mul3A_170 = arith.constant 40 : i32
        %mul3A_171 = arith.muli %add3A_169, %mul3A_170 : i32
        %dma_start3A_172 = tpu.memref_slice %arg5[%mul3A_171] : memref<6400xi32, #tpu.memory_space<vmem>> -> memref<40xi32, #tpu.memory_space<vmem>>
        %dma_start3A_173 = arith.constant 0 : i32
        %dma_start3A_174 = arith.constant 0 : i32
        %dma_start3A_175 = tpu.memref_slice %arg2[%dma_start3A_173, %dma_start3A_174] : memref<30522x768xf32, #tpu.memory_space<hbm>> -> memref<30522x768xf32, #tpu.memory_space<hbm>>
        tpu.enqueue_indirect_dma source(%dma_start3A_175 : memref<30522x768xf32, #tpu.memory_space<hbm>>) target(%arg8 : memref<40x768xf32, #tpu.memory_space<vmem>>) offsets(%dma_start3A_172 : memref<40xi32, #tpu.memory_space<vmem>>) semaphore(%arg12 : memref<!tpu.dma_semaphore, #tpu.memory_space<semaphore_mem>>)
      } else {
      }
      %dma_wait3A_156 = arith.constant 0 : i32
      %dma_wait3A_157 = tpu.memref_slice %arg5[%dma_wait3A_156] : memref<6400xi32, #tpu.memory_space<vmem>> -> memref<40xi32, #tpu.memory_space<vmem>>
      %dma_wait3A_158 = arith.constant 0 : i32
      %dma_wait3A_159 = arith.constant 0 : i32
      %dma_wait3A_160 = tpu.memref_slice %arg2[%dma_wait3A_158, %dma_wait3A_159] : memref<30522x768xf32, #tpu.memory_space<hbm>> -> memref<30522x768xf32, #tpu.memory_space<hbm>>
      tpu.wait_indirect_dma semaphore(%arg13 : memref<!tpu.dma_semaphore, #tpu.memory_space<semaphore_mem>>) src(%dma_wait3A_160 : memref<30522x768xf32, #tpu.memory_space<hbm>>) dst(%arg9 : memref<40x768xf32, #tpu.memory_space<vmem>>)
      %mul3A_161 = arith.constant 40 : i32
      %mul3A_162 = arith.muli %add3A_136, %mul3A_161 : i32
      %add3A_163 = arith.addi %mul3A_2, %mul3A_162 : i32
      %dma_start3A_164 = arith.constant 0 : i32
      %dma_start3A_165 = tpu.memref_slice %arg4[%add3A_163, %dma_start3A_164] : memref<204800x768xf32, #tpu.memory_space<hbm>> -> memref<40x768xf32, #tpu.memory_space<hbm>>
      %dma_start3A_166 = arith.constant 0 : i32
      %dma_start3A_167 = tpu.memref_slice %arg4[%add3A_163, %dma_start3A_166] : memref<204800x768xf32, #tpu.memory_space<hbm>> -> memref<40x768xf32, #tpu.memory_space<hbm>>
      tpu.enqueue_dma source(%arg9 : memref<40x768xf32, #tpu.memory_space<vmem>>) target(%dma_start3A_167 : memref<40x768xf32, #tpu.memory_space<hbm>>) target_semaphore(%arg17 : memref<!tpu.dma_semaphore, #tpu.memory_space<semaphore_mem>>)
    }
    %scan3A_20 = arith.constant 40 : i32
    %dma_wait3A = arith.constant 0 : i32
    %dma_wait3A_21 = tpu.memref_slice %arg4[%mul3A_2, %dma_wait3A] : memref<204800x768xf32, #tpu.memory_space<hbm>> -> memref<40x768xf32, #tpu.memory_space<hbm>>
    %dma_wait3A_22 = arith.constant 0 : i32
    %dma_wait3A_23 = tpu.memref_slice %arg4[%mul3A_2, %dma_wait3A_22] : memref<204800x768xf32, #tpu.memory_space<hbm>> -> memref<40x768xf32, #tpu.memory_space<hbm>>
    tpu.wait_dma2 semaphore(%arg14 : memref<!tpu.dma_semaphore, #tpu.memory_space<semaphore_mem>>) src(%arg6 : memref<40x768xf32, #tpu.memory_space<vmem>>) dst(%dma_wait3A_23 : memref<40x768xf32, #tpu.memory_space<hbm>>)
    %dma_wait3A_24 = arith.constant 0 : i32
    %dma_wait3A_25 = tpu.memref_slice %arg4[%mul3A_2, %dma_wait3A_24] : memref<204800x768xf32, #tpu.memory_space<hbm>> -> memref<40x768xf32, #tpu.memory_space<hbm>>
    %dma_wait3A_26 = arith.constant 0 : i32
    %dma_wait3A_27 = tpu.memref_slice %arg4[%mul3A_2, %dma_wait3A_26] : memref<204800x768xf32, #tpu.memory_space<hbm>> -> memref<40x768xf32, #tpu.memory_space<hbm>>
    tpu.wait_dma2 semaphore(%arg15 : memref<!tpu.dma_semaphore, #tpu.memory_space<semaphore_mem>>) src(%arg7 : memref<40x768xf32, #tpu.memory_space<vmem>>) dst(%dma_wait3A_27 : memref<40x768xf32, #tpu.memory_space<hbm>>)
    %dma_wait3A_28 = arith.constant 0 : i32
    %dma_wait3A_29 = tpu.memref_slice %arg4[%mul3A_2, %dma_wait3A_28] : memref<204800x768xf32, #tpu.memory_space<hbm>> -> memref<40x768xf32, #tpu.memory_space<hbm>>
    %dma_wait3A_30 = arith.constant 0 : i32
    %dma_wait3A_31 = tpu.memref_slice %arg4[%mul3A_2, %dma_wait3A_30] : memref<204800x768xf32, #tpu.memory_space<hbm>> -> memref<40x768xf32, #tpu.memory_space<hbm>>
    tpu.wait_dma2 semaphore(%arg16 : memref<!tpu.dma_semaphore, #tpu.memory_space<semaphore_mem>>) src(%arg8 : memref<40x768xf32, #tpu.memory_space<vmem>>) dst(%dma_wait3A_31 : memref<40x768xf32, #tpu.memory_space<hbm>>)
    %dma_wait3A_32 = arith.constant 0 : i32
    %dma_wait3A_33 = tpu.memref_slice %arg4[%mul3A_2, %dma_wait3A_32] : memref<204800x768xf32, #tpu.memory_space<hbm>> -> memref<40x768xf32, #tpu.memory_space<hbm>>
    %dma_wait3A_34 = arith.constant 0 : i32
    %dma_wait3A_35 = tpu.memref_slice %arg4[%mul3A_2, %dma_wait3A_34] : memref<204800x768xf32, #tpu.memory_space<hbm>> -> memref<40x768xf32, #tpu.memory_space<hbm>>
    tpu.wait_dma2 semaphore(%arg17 : memref<!tpu.dma_semaphore, #tpu.memory_space<semaphore_mem>>) src(%arg9 : memref<40x768xf32, #tpu.memory_space<vmem>>) dst(%dma_wait3A_35 : memref<40x768xf32, #tpu.memory_space<hbm>>)
    return
  }
}

</mosaic_0001>

<sc_bundles>
// kernel: gather.3.cloned.1.call-start
scs
__scs_entry_jumppad:
0x0: {  	(pc) =	sbr.rel $0x88, $3  }
0x1: {  	(tag) =	ssettag $0x0;
	lr =	simm.s32 $0x1  }
0x2: {  	[smem:$0x3F9F] =	sst lr;
	_ =	strace $0xD0000000  }
0x3: {  	_ = 	snop  }
0x4: {  	_ = 	snop  }
0x5: {  	_ = 	snop  }
0x6: {  	_ = 	snop  }
0x7: {  	_ = 	snop  }
__scs_overlays_trampoline_lowered:
0x8: {  	[smem:$0x3FAE] =	sst s0  }
0x9: {  	[smem:$0x3FAF] =	sst s1  }
0xa: {  	[smem:$0x3FB0] =	sst s2  }
0xb: {  	[smem:$0x3FB1] =	sst s3  }
0xc: {  	[smem:$0x3FB2] =	sst s4  }
0xd: {  	[smem:$0x3FB3] =	sst s5  }
0xe: {  	[smem:$0x3FB4] =	sst s6  }
0xf: {  	[smem:$0x3FB5] =	sst s7  }
0x10: {  	[smem:$0x3FB6] =	sst s8  }
0x11: {  	[smem:$0x3FB7] =	sst s9;
	s0 =	simm.s32 @!p0 $0x0  }
0x12: {  	s1 =	sld [smem:$0x3F9D];
	s0 =	simm.s32 @p0 $0x1  }
0x13: {  	[smem:$0x3FB8] =	sst s0;
	s0 =	simm.s32 @!p1 $0x0  }
0x14: {  	s2 =	sld [smem:$0x3F9C];
	s0 =	simm.s32 @p1 $0x1  }
0x15: {  	[smem:$0x3FB9] =	sst s0;
	s0 =	simm.s32 @!p2 $0x0  }
0x16: {  	s3 =	sld [smem:$0x3FDB];
	s0 =	simm.s32 @p2 $0x1  }
0x17: {  	s4 =	simm.s32 $0x1BF5;
	[smem:$0x3FBB] =	sst s0  }
0x18: {  	s0 =	sld [smem:$0x3F9E];
	_ =	swait.ge [sflag:s4], $0x0  }
0x19: {  	s7 =	sld [smem:$0x3F9F]  }
0x1a: {  	s8 =	sadd.s32 $0xFFFFE003, lr  }
0x1b: {  	s9 =	sadd.s32 $0xFFFFFEF7, lr;
	s5 =	simm.s32 $0xFFFFFFFF;
	p2 =	slt.u32 s8, $0xFFFFF086  }
0x1c: {  	p1 =	slt.u32 s9, $0xF7A;
	s5 =	simm.s32 @!p2 $0x0  }
0x1d: {  	s5 =	simm.s32 @p1 $0x1;
	p0 =	seq.s32 s7, s2  }
0x1e: {  	s7 =	smul.u32 @!p0 $0xF7A, s2;
	p2 =	seq.s32 @!p0 s5, $0x0  }
0x1f: {  	s9 =	smul.u32 $0xF7A, s1;
	s8 =	simm.s32 @!p0 $0x1BF5;
	p2 =	por !p2, p0  }
0x20: {  	[sflag:s8] =	ssyncset.s32 @!p0 $0xFFFFF086;
	s6 =	sadd.s32 @!p0 s3, s7;
	s7 =	simm.s32 @!p0 $0x108  }
0x21: {  	s3 =	sadd.s32 s3, s9;
	s6 =	sadd.s32 @!p0 $0x88, s6;
	s7 =	simm.s32 @p2 $0x1082  }
0x22: {  	[simem:s7], [sflag:s8] =	dma.local @!p0 [hbm:s6], $0xF7A  }
0x23: {  	s9 =	sor.u32 $0xD0000000, s2;
	s6 =	simm.s32 $0x108;
	_ =	swait.ge @!p0 [sflag:s8], $0x0  }
0x24: {  	s3 =	sadd.s32 $0x88, s3;
	s6 =	simm.s32 @!p1 $0x1082;
	[sflag:s4] =	ssyncset.s32 $0xFFFFF086  }
0x25: {  	[simem:s6], [sflag:s4] =	dma.local [hbm:s3], $0xF7A  }
0x26: {  	[smem:$0x3F9F] =	sst s1;
	(tag) =	ssettag s2;
	_ =	strace s9  }
0x27: {  	s1 =	sld [smem:$0x3FAF]  }
0x28: {  	s2 =	sld [smem:$0x3FB0]  }
0x29: {  	s4 =	sld [smem:$0x3FB2]  }
0x2a: {  	p0 =	seq.s32 s5, $0x0;
	s5 =	sld [smem:$0x3FB3]  }
0x2b: {  	s6 =	sld [smem:$0x3FB4]  }
0x2c: {  	s7 =	sld [smem:$0x3FB5]  }
0x2d: {  	s3 =	simm.s32 $0x108;
	s8 =	sld [smem:$0x3FB6]  }
0x2e: {  	s3 =	simm.s32 @!p0 $0x1082;
	s9 =	sld [smem:$0x3FB7]  }
0x2f: {  	lr =	sadd.s32 s0, s3;
	s0 =	sld [smem:$0x3FAE]  }
0x30: {  	s3 =	sld [smem:$0x3FB1]  }
0x31: {  	[smem:$0x3FBA] =	sst s10  }
0x32: {  	s10 =	sld [smem:$0x3FB8];
	_ =	sdelay $0x3  }
0x33: {  	p0 =	seq.s32 s10, $0x1;
	s10 =	sld [smem:$0x3FBA];
	_ =	sdelay $0x3  }
0x34: {  	[smem:$0x3FBA] =	sst s10  }
0x35: {  	s10 =	sld [smem:$0x3FB9];
	_ =	sdelay $0x3  }
0x36: {  	p1 =	seq.s32 s10, $0x1;
	s10 =	sld [smem:$0x3FBA];
	_ =	sdelay $0x3  }
0x37: {  	[smem:$0x3FBA] =	sst s10  }
0x38: {  	s10 =	sld [smem:$0x3FBB]  }
0x39: {  	_ = 	snop;
	(pc) =	sbr.ind lr, $3  }
0x3a: {  	_ = 	snop  }
0x3b: {  	_ = 	snop  }
0x3c: {  	p2 =	seq.s32 s10, $0x1;
	s10 =	sld [smem:$0x3FBA]  }
0x3d: {  	_ =	shalt  }
0x3e: {  	_ =	shalt  }
0x3f: {  	_ =	shalt  }
0x40: {  	_ =	shalt  }
0x41: {  	_ =	shalt  }
0x42: {  	_ =	shalt  }
0x43: {  	_ =	shalt  }
0x44: {  	_ =	shalt  }
0x45: {  	_ =	shalt  }
0x46: {  	_ =	shalt  }
0x47: {  	_ =	shalt  }
0x48: {  	_ =	shalt  }
0x49: {  	_ =	shalt  }
0x4a: {  	_ =	shalt  }
0x4b: {  	_ =	shalt  }
0x4c: {  	_ =	shalt  }
0x4d: {  	_ =	shalt  }
0x4e: {  	_ =	shalt  }
0x4f: {  	_ =	shalt  }
0x50: {  	_ =	shalt  }
0x51: {  	_ =	shalt  }
0x52: {  	_ =	shalt  }
0x53: {  	_ =	shalt  }
0x54: {  	_ =	shalt  }
0x55: {  	_ =	shalt  }
0x56: {  	_ =	shalt  }
0x57: {  	_ =	shalt  }
0x58: {  	_ =	shalt  }
0x59: {  	_ =	shalt  }
0x5a: {  	_ =	shalt  }
0x5b: {  	_ =	shalt  }
0x5c: {  	_ =	shalt  }
0x5d: {  	_ =	shalt  }
0x5e: {  	_ =	shalt  }
0x5f: {  	_ =	shalt  }
0x60: {  	_ =	shalt  }
0x61: {  	_ =	shalt  }
0x62: {  	_ =	shalt  }
0x63: {  	_ =	shalt  }
0x64: {  	_ =	shalt  }
0x65: {  	_ =	shalt  }
0x66: {  	_ =	shalt  }
0x67: {  	_ =	shalt  }
0x68: {  	_ =	shalt  }
0x69: {  	_ =	shalt  }
0x6a: {  	_ =	shalt  }
0x6b: {  	_ =	shalt  }
0x6c: {  	_ =	shalt  }
0x6d: {  	_ =	shalt  }
0x6e: {  	_ =	shalt  }
0x6f: {  	_ =	shalt  }
0x70: {  	_ =	shalt  }
0x71: {  	_ =	shalt  }
0x72: {  	_ =	shalt  }
0x73: {  	_ =	shalt  }
0x74: {  	_ =	shalt  }
0x75: {  	_ =	shalt  }
0x76: {  	_ =	shalt  }
0x77: {  	_ =	shalt  }
0x78: {  	_ =	shalt  }
0x79: {  	_ =	shalt  }
0x7a: {  	_ =	shalt  }
0x7b: {  	_ =	shalt  }
0x7c: {  	_ =	shalt  }
0x7d: {  	_ =	shalt  }
0x7e: {  	_ =	shalt  }
0x7f: {  	_ =	shalt  }
0x80: {  	_ =	shalt  }
0x81: {  	_ =	shalt  }
0x82: {  	_ =	shalt  }
0x83: {  	_ =	shalt  }
0x84: {  	_ =	shalt  }
0x85: {  	_ =	shalt  }
0x86: {  	_ =	shalt  }
0x87: {  	_ =	shalt  }
.Lfunc_end0:
.L_simem_size_0:
called_computation_lowered:
.L_overlay_start_0:
0x88: {  	s2 =	sld [smem:$0x3FD9]  }
0x89: {  	s3 =	sld [smem:$0x3FFE];
	_ =	sdelay $0x1  }
0x8a: {  	s1 =	srdreg.scid  }
0x8b: {  	s0 =	sand.u32 $0x1, s1  }
0x8c: {  	s18 =	sshll.u32 s0, $0xA;
	s2 =	sadd.s32 s3, s2  }
0x8d: {  	s2 =	sadd.s32 s2, s18  }
0x8e: {  	[smem:$0x3FC6] =	sst s2  }
0x8f: {  	_ = 	snop  }
0x90: {  	s2 =	sld [smem:$0x3FC9]  }
0x91: {  	s19 =	sld [smem:$0x3FC8]  }
0x92: {  	s4 =	sld [smem:$0x3FD0];
	(tm) =	ssettm $0x1  }
0x93: {  	s5 =	sld [smem:$0x3FFB];
	_ =	sdelay $0x3  }
0x94: {  	_ =	strace s5  }
0x95: {  	s5 =	sld [smem:$0x3FFC];
	_ =	sdelay $0x3  }
0x96: {  	_ =	strace s5  }
0x97: {  	s5 =	sld [smem:$0x3FFD];
	_ =	sdelay $0x3  }
0x98: {  	_ =	strace s5  }
0x99: {  	_ =	strace $0x8FFFFFFF  }
0x9a: {  	s20 =	sld [smem:$0x3FDB];
	_ =	sdelay $0x1  }
0x9b: {  	s6 =	simm.s32 $_scs_section_size  }
0x9c: {  	s7 =	simm.s32 $_size__tile_overlayer_lowered;
	s8 =	simm.s32 $_tile_overlayer_lowered  }
0x9d: {  	s23 =	simm.s32 $0x1BFF;
	s22 =	sshll.u32 s8, $0x1;
	s5 =	sadd.s32 s6, s20  }
0x9e: {  	s9 =	simm.s32 $0x0;
	s21 =	sshll.u32 s7, $0x1;
	s7 =	sadd.s32 s22, s5  }
0x9f: {  	[timem:s9], [sflag:s23] =	dma.local [hbm:s7], s21  }
0xa0: {  	_ =	swait.ge [sflag:s23], s21  }
0xa1: {  	s6 =	ssub.s32 $0x0, s21;
	[sflag:s23] =	ssyncset.done $0x0  }
0xa2: {  	[sflag:s23] =	ssyncadd.s32 s6;
	_ =	sdelay $0x1  }
0xa3: {  	s24 =	simm.s32 $0x1B8B  }
0xa4: {  	_ =	swait.ge [sflag:s24], $0x1  }
0xa5: {  	[sflag:s24] =	ssyncset.done $0x0  }
0xa6: {  	s25 =	simm.s32 $0x1B8E;
	[sflag:s24] =	ssyncadd.s32 $0xFFFFFFFF  }
0xa7: {  	s26 =	simm.s32 $execute0_lowered;
	[smem:$0x3FD2] =	sst s25  }
0xa8: {  	s6 =	sshll.u32 s26, $0x1;
	_ =	strace $0x80000046;
	[dreg:$0x1] =	wrdreg $0xFFFFFFFF  }
0xa9: {  	s28 =	simm.s32 $_size_execute0_lowered;
	s5 =	sadd.s32 s5, s6;
	[dreg:$0x0] =	wrdreg $0x0  }
0xaa: {  	s6 =	sshll.u32 s28, $0x1;
	[dreg:$0x2] =	wrdreg s5  }
0xab: {  	[dreg:$0x3] =	wrdreg s6  }
0xac: {  	[dreg:$0x4] =	wrdreg $0xC0  }
0xad: {  	_ =	task [dreg:s9], $0x5FFFF  }
0xae: {  	[dreg:$0x1] =	wrdreg $0xFFFFFFFF  }
0xaf: {  	[dreg:$0x0] =	wrdreg $0x60  }
0xb0: {  	[dreg:$0x2] =	wrdreg s2  }
0xb1: {  	[dreg:$0x3] =	wrdreg s19  }
0xb2: {  	[dreg:$0x4] =	wrdreg s4  }
0xb3: {  	[dreg:$0x5] =	wrdreg $0x9  }
0xb4: {  	_ =	task.clear_ibuf [dreg:s9], $0x6FFFF;
	_ =	strace $0x90000046  }
0xb5: {  	s29 =	simm.s32 $0x9;
	_ =	strace $0x80000048  }
0xb6: {  	_ =	swait.ge [sflag:s29], $0x1  }
0xb7: {  	[sflag:s29] =	ssyncadd.s32 $0xFFFFFFFF  }
0xb8: {  	_ =	strace $0x90000048  }
0xb9: {  	_ =	sfence  }
0xba: {  	s30 =	sld [smem:$0x0];
	_ =	sdelay $0x2  }
0xbb: {  	s31 =	sshll.u32 s1, $0xD;
	s1 =	sshrl.u32 s1, $0x2  }
0xbc: {  	s3 =	sand.u32 $0x4000, s31;
	s1 =	sadd.s32 s1, s30  }
0xbd: {  	s0 =	sor.u32 s3, s0;
	s1 =	sshll.u32 s1, $0x11  }
0xbe: {  	s0 =	sor.u32 s1, s0  }
0xbf: {  	s0 =	sadd.s32 $0x8F2B, s0  }
0xc0: {  	[sflag:s0] =	ssyncadd.remote.s32 $0x1  }
0xc1: {  	_ =	sfence.sel $0xFFFF  }
0xc2: {  	[dreg:$0x0] =	wrdreg $0xFFFFFFFF;
	(pc) =	sbr.abs _section_cstart, $3  }
0xc3: {  	[dreg:$0x1] =	wrdreg $0xFFFFFFFF  }
0xc4: {  	_ =	task.clear_ibuf [dreg:s9], $0x2FFFF;
	_ =	strace $0x9FFFFFFF  }
0xc5: {  	(tm) =	ssettm $0x7FFFFFFF  }
tec
execute0_lowered:
.L_overlay_start_1:
0x0: {  	(tag) =	ssettag $0x1  }
0x1: {  	s2 =	rddreg [dreg:$0x0]  }
0x2: {  	s0 =	rddreg [dreg:$0x1]  }
0x3: {  	s1 =	rddreg [dreg:$0x2]  }
0x4: {  	s3 =	srdreg.scid;
	s6 =	stileid.u32  }
0x5: {  	s13 =	simm.s32 $0x1900;
	s29 =	simm.s32 $0x9100;
	s15 =	simm.s32 $0x18100  }
0x6: {  	s28 =	simm.s32 $0x1D900;
	s30 =	simm.s32 $0x1E100;
	s31 =	simm.s32 $0x1E900  }
0x7: {  	s12 =	simm.s32 $0x4;
	s14 =	simm.s32 $0x5;
	s16 =	simm.s32 $0x6  }
0x8: {  	s17 =	simm.s32 $0x7;
	s20 =	simm.s32 $0x0;
	s4 =	sand.u32 $0x1, s3  }
0x9: {  	s5 =	smul.u32 $0x3200, s6;
	s3 =	simm.s32 $0x0;
	s6 =	sshll.u32 s6, $0x1  }
0xa: {  	s7 =	smul.u32 $0x1900, s4;
	s6 =	sor.u32 s4, s6;
	s4 =	ssub.s32 $0x2, s4  }
0xb: {  	[smem:$0x7FF] =	sst s3;
	s6 =	smul.u32 $0x1900, s6;
	s21 =	sshrl.u32 s4, $0x1  }
0xc: {  	_ =	strace $0x80000047;
	s5 =	sadd.s32 s7, s5;
	s4 =	ssub.s32 s4, s21  }
0xd: {  	s21 =	simm.s32 $0x10900;
	s8 =	sor.u32 $0x78, s5;
	s6 =	sshrl.u32 s6, $0x3  }
0xe: {  	s23 =	sshrl.u32 s5, $0x3;
	s9 =	sor.u32 $0x28, s5;
	s5 =	sor.u32 $0x50, s5  }
0xf: {  	s4 =	smax.u32 s4, $0x1;
	s22 =	sshrl.u32 s8, $0x3;
	s10 =	smul.u32 $0x300, s23  }
0x10: {  	s24 =	sshrl.u32 s9, $0x3;
	s0 =	sadd.s32 s0, s6;
	s26 =	sshrl.u32 s5, $0x3  }
0x11: {  	s5 =	sadd.s32 $0x100, s2;
	s6 =	sadd.s32 $0x200, s2;
	s7 =	smul.u32 $0x300, s22  }
0x12: {  	[dreg:$0x5] =	wrdreg s4;
	s23 =	simm.s32 $0x1B900;
	s25 =	smul.u32 $0x300, s24  }
.Ltmp0:
0x13: {  	s4 =	simm.s32 $0x2;
	[dreg:$0x4] =	wrdreg s0;
	(pc) =	sbr.rel .LBB2_1-.Ltmp0, $4  }
0x14: {  	s11 =	smul.u32 $0x300, s26;
	s22 =	simm.s32 $0x1B100;
	s24 =	simm.s32 $0x1C100  }
0x15: {  	v2 =	vlaneseq.u32;
	s26 =	simm.s32 $0x1D100;
	s0 =	simm.s32 $0x1F100;
	s9 =	sadd.s32 s10, s1  }
0x16: {  	vm0 =	vmmov $0xffff;
	v1 =	vshrl.u32 v2, $0x3;
	s8 =	sadd.s32 s7, s1;
	s10 =	sadd.s32 s25, s1;
	s11 =	sadd.s32 s11, s1  }
0x17: {  	v0 =	vand.u32 $0x7, v2;
	v2 =	vor.u32 $0x8, v2;
	v1 =	vmul.u32 $0x8, v1;
	s25 =	simm.s32 $0x1C900;
	s1 =	simm.s32 $0x1;
	s7 =	simm.s32 $0x3  }
.LBB2_9:
0x18: {  	_ =	swait.ge [sflag:s14], $0x7800  }
0x19: {  	[sflag:s14] =	ssyncset.done $0x0  }
0x1a: {  	[sflag:s14] =	ssyncadd.s32 $0xFFFF8800  }
0x1b: {  	_ =	swait.ge [sflag:s16], $0x7800  }
0x1c: {  	[sflag:s16] =	ssyncset.done $0x0  }
0x1d: {  	[sflag:s16] =	ssyncadd.s32 $0xFFFF8800  }
0x1e: {  	_ =	swait.ge [sflag:s17], $0x7800  }
0x1f: {  	[sflag:s17] =	ssyncset.done $0x0  }
0x20: {  	s19 =	simm.s32 $0x8;
	[sflag:s17] =	ssyncadd.s32 $0xFFFF8800  }
0x21: {  	_ =	swait.ge [sflag:s19], $0x7800  }
0x22: {  	s20 =	rddreg [dreg:$0x6]  }
0x23: {  	s18 =	rddreg [dreg:$0x5];
	s20 =	sadd.s32 $0x1, s20  }
0x24: {  	p0 =	sne.s32 s20, s18  }
.Ltmp1:
0x25: {  	_ = 	snop;
	(pc) =	sbr.rel @!p0 .LBB2_10-.Ltmp1, $3  }
0x26: {  	_ =	sdelay $0x1  }
0x27: {  	[sflag:s19] =	ssyncset.done $0x0  }
0x28: {  	[sflag:s19] =	ssyncadd.s32 $0xFFFF8800  }
.LBB2_1:
0x29: {  	[dreg:$0x6] =	wrdreg s20  }
0x2a: {  	s18 =	rddreg [dreg:$0x4];
	s20 =	simm.s32 $0x9  }
0x2b: {  	[tilespmem:s3], [sflag:$0x9] =	stream.linear.gather [hbm4b:s18+s3], $0x1900, $0x38;
	[tilespmem:$0x1F900] =	vst v63  }
0x2c: {  	_ =	swait.ge [sflag:s20], $0x1900  }
0x2d: {  	[sflag:s20] =	ssyncset.done $0x0  }
0x2e: {  	[sflag:s20] =	ssyncadd.s32 $0xFFFFE700  }
0x2f: {  	v3 =	vld [tilespmem:$0x0];
	_ =	sdelay $0x4  }
0x30: {  	v4 =	vshrl.u32 v3, $0x3  }
0x31: {  	v4 =	vmul.u32 $0x30, v4  }
0x32: {  	v3 =	vand.u32 $0x7, v3  }
0x33: {  	v3 =	vor.u32 v3, v4  }
0x34: {  	v4 =	vperm.xlane v3, v0;
	_ =	sdelay $0x1  }
0x35: {  	v4 =	vadd.s32 v1, v4;
	_ =	sdelay $0x3  }
0x36: {  	v3 =	vperm.xlane v3, v2  }
0x37: {  	[tilespmem:s13], [sflag:$0x1] =	stream.indirect_vreg.gather [hbm4b:s2+s3], $0x80, v4, vm0, $0xb8;
	[tilespmem:$0x1F900] =	vst v63  }
0x38: {  	s19 =	simm.s32 $0x2100;
	v3 =	vadd.s32 v1, v3  }
0x39: {  	[tilespmem:s19], [sflag:$0x1] =	stream.indirect_vreg.gather [hbm4b:s5+s3], $0x80, v4, vm0, $0xb8;
	[tilespmem:$0x1F900] =	vst v63  }
0x3a: {  	s20 =	simm.s32 $0x2900  }
0x3b: {  	[tilespmem:s20], [sflag:$0x1] =	stream.indirect_vreg.gather [hbm4b:s6+s3], $0x80, v4, vm0, $0xb8;
	[tilespmem:$0x1F900] =	vst v63  }
0x3c: {  	s19 =	simm.s32 $0x3100  }
0x3d: {  	[tilespmem:s19], [sflag:$0x1] =	stream.indirect_vreg.gather [hbm4b:s2+s3], $0x80, v3, vm0, $0xb8;
	[tilespmem:$0x1F900] =	vst v63  }
0x3e: {  	s20 =	simm.s32 $0x3900  }
0x3f: {  	[tilespmem:s20], [sflag:$0x1] =	stream.indirect_vreg.gather [hbm4b:s5+s3], $0x80, v3, vm0, $0xb8;
	[tilespmem:$0x1F900] =	vst v63  }
0x40: {  	s19 =	simm.s32 $0x4100  }
0x41: {  	[tilespmem:s19], [sflag:$0x1] =	stream.indirect_vreg.gather [hbm4b:s6+s3], $0x80, v3, vm0, $0xb8;
	[tilespmem:$0x1F900] =	vst v63  }
0x42: {  	v3 =	vld [tilespmem:$0x10];
	_ =	sdelay $0x4  }
0x43: {  	v56 =	vshrl.u32 v3, $0x3  }
0x44: {  	v4 =	vmul.u32 $0x30, v56  }
0x45: {  	v3 =	vand.u32 $0x7, v3  }
0x46: {  	v3 =	vor.u32 v3, v4  }
0x47: {  	v4 =	vperm.xlane v3, v0;
	_ =	sdelay $0x1  }
0x48: {  	v4 =	vadd.s32 v1, v4;
	_ =	sdelay $0x3  }
0x49: {  	s20 =	simm.s32 $0x4900;
	v3 =	vperm.xlane v3, v2  }
0x4a: {  	[tilespmem:s20], [sflag:$0x1] =	stream.indirect_vreg.gather [hbm4b:s2+s3], $0x80, v4, vm0, $0xb8;
	[tilespmem:$0x1F900] =	vst v63  }
0x4b: {  	s19 =	simm.s32 $0x5100;
	v3 =	vadd.s32 v1, v3  }
0x4c: {  	[tilespmem:s19], [sflag:$0x1] =	stream.indirect_vreg.gather [hbm4b:s5+s3], $0x80, v4, vm0, $0xb8;
	[tilespmem:$0x1F900] =	vst v63  }
0x4d: {  	s20 =	simm.s32 $0x5900  }
0x4e: {  	[tilespmem:s20], [sflag:$0x1] =	stream.indirect_vreg.gather [hbm4b:s6+s3], $0x80, v4, vm0, $0xb8;
	[tilespmem:$0x1F900] =	vst v63  }
0x4f: {  	s19 =	simm.s32 $0x6100  }
0x50: {  	[tilespmem:s19], [sflag:$0x1] =	stream.indirect_vreg.gather [hbm4b:s2+s3], $0x80, v3, vm0, $0xb8;
	[tilespmem:$0x1F900] =	vst v63  }
0x51: {  	s20 =	simm.s32 $0x6900  }
0x52: {  	[tilespmem:s20], [sflag:$0x1] =	stream.indirect_vreg.gather [hbm4b:s5+s3], $0x80, v3, vm0, $0xb8;
	[tilespmem:$0x1F900] =	vst v63  }
0x53: {  	s19 =	simm.s32 $0x7100  }
0x54: {  	[tilespmem:s19], [sflag:$0x1] =	stream.indirect_vreg.gather [hbm4b:s6+s3], $0x80, v3, vm0, $0xb8;
	[tilespmem:$0x1F900] =	vst v63  }
0x55: {  	v3 =	vld.msk [tilespmem:$0x20], $0xff;
	_ =	sdelay $0x4  }
0x56: {  	v57 =	vshrl.u32 v3, $0x3  }
0x57: {  	v4 =	vmul.u32 $0x30, v57  }
0x58: {  	v3 =	vand.u32 $0x7, v3  }
0x59: {  	v3 =	vor.u32 v3, v4  }
0x5a: {  	v3 =	vperm.xlane v3, v0;
	_ =	sdelay $0x1  }
0x5b: {  	v3 =	vadd.s32 v1, v3;
	_ =	sdelay $0x3  }
0x5c: {  	s20 =	simm.s32 $0x7900  }
0x5d: {  	[tilespmem:s20], [sflag:$0x1] =	stream.indirect_vreg.gather [hbm4b:s2+s3], $0x80, v3, vm0, $0xb8;
	[tilespmem:$0x1F900] =	vst v63  }
0x5e: {  	s19 =	simm.s32 $0x8100  }
0x5f: {  	[tilespmem:s19], [sflag:$0x1] =	stream.indirect_vreg.gather [hbm4b:s5+s3], $0x80, v3, vm0, $0xb8;
	[tilespmem:$0x1F900] =	vst v63  }
0x60: {  	s20 =	simm.s32 $0x8900  }
0x61: {  	[tilespmem:s20], [sflag:$0x1] =	stream.indirect_vreg.gather [hbm4b:s6+s3], $0x80, v3, vm0, $0xb8;
	[tilespmem:$0x1F900] =	vst v63  }
0x62: {  	v3 =	vld [tilespmem:$0x28];
	_ =	sdelay $0x4  }
0x63: {  	v58 =	vshrl.u32 v3, $0x3  }
0x64: {  	v4 =	vmul.u32 $0x30, v58  }
0x65: {  	v3 =	vand.u32 $0x7, v3  }
0x66: {  	v3 =	vor.u32 v3, v4  }
0x67: {  	v4 =	vperm.xlane v3, v0;
	_ =	sdelay $0x1  }
0x68: {  	v4 =	vadd.s32 v1, v4;
	_ =	sdelay $0x3  }
0x69: {  	v3 =	vperm.xlane v3, v2  }
0x6a: {  	[tilespmem:s29], [sflag:$0x2] =	stream.indirect_vreg.gather [hbm4b:s2+s3], $0x80, v4, vm0, $0xb8;
	[tilespmem:$0x1F900] =	vst v63  }
0x6b: {  	s19 =	simm.s32 $0x9900;
	v3 =	vadd.s32 v1, v3  }
0x6c: {  	[tilespmem:s19], [sflag:$0x2] =	stream.indirect_vreg.gather [hbm4b:s5+s3], $0x80, v4, vm0, $0xb8;
	[tilespmem:$0x1F900] =	vst v63  }
0x6d: {  	s20 =	simm.s32 $0xA100  }
0x6e: {  	[tilespmem:s20], [sflag:$0x2] =	stream.indirect_vreg.gather [hbm4b:s6+s3], $0x80, v4, vm0, $0xb8;
	[tilespmem:$0x1F900] =	vst v63  }
0x6f: {  	s19 =	simm.s32 $0xA900  }
0x70: {  	[tilespmem:s19], [sflag:$0x2] =	stream.indirect_vreg.gather [hbm4b:s2+s3], $0x80, v3, vm0, $0xb8;
	[tilespmem:$0x1F900] =	vst v63  }
0x71: {  	s20 =	simm.s32 $0xB100  }
0x72: {  	[tilespmem:s20], [sflag:$0x2] =	stream.indirect_vreg.gather [hbm4b:s5+s3], $0x80, v3, vm0, $0xb8;
	[tilespmem:$0x1F900] =	vst v63  }
0x73: {  	s19 =	simm.s32 $0xB900  }
0x74: {  	[tilespmem:s19], [sflag:$0x2] =	stream.indirect_vreg.gather [hbm4b:s6+s3], $0x80, v3, vm0, $0xb8;
	[tilespmem:$0x1F900] =	vst v63  }
0x75: {  	v3 =	vld [tilespmem:$0x38];
	_ =	sdelay $0x4  }
0x76: {  	v59 =	vshrl.u32 v3, $0x3  }
0x77: {  	v4 =	vmul.u32 $0x30, v59  }
0x78: {  	v3 =	vand.u32 $0x7, v3  }
0x79: {  	v3 =	vor.u32 v3, v4  }
0x7a: {  	v4 =	vperm.xlane v3, v0;
	_ =	sdelay $0x1  }
0x7b: {  	v4 =	vadd.s32 v1, v4;
	_ =	sdelay $0x3  }
0x7c: {  	s20 =	simm.s32 $0xC100;
	v3 =	vperm.xlane v3, v2  }
0x7d: {  	[tilespmem:s20], [sflag:$0x2] =	stream.indirect_vreg.gather [hbm4b:s2+s3], $0x80, v4, vm0, $0xb8;
	[tilespmem:$0x1F900] =	vst v63  }
0x7e: {  	s19 =	simm.s32 $0xC900;
	v3 =	vadd.s32 v1, v3  }
0x7f: {  	[tilespmem:s19], [sflag:$0x2] =	stream.indirect_vreg.gather [hbm4b:s5+s3], $0x80, v4, vm0, $0xb8;
	[tilespmem:$0x1F900] =	vst v63  }
0x80: {  	s20 =	simm.s32 $0xD100  }
0x81: {  	[tilespmem:s20], [sflag:$0x2] =	stream.indirect_vreg.gather [hbm4b:s6+s3], $0x80, v4, vm0, $0xb8;
	[tilespmem:$0x1F900] =	vst v63  }
0x82: {  	s19 =	simm.s32 $0xD900  }
0x83: {  	[tilespmem:s19], [sflag:$0x2] =	stream.indirect_vreg.gather [hbm4b:s2+s3], $0x80, v3, vm0, $0xb8;
	[tilespmem:$0x1F900] =	vst v63  }
0x84: {  	s20 =	simm.s32 $0xE100  }
0x85: {  	[tilespmem:s20], [sflag:$0x2] =	stream.indirect_vreg.gather [hbm4b:s5+s3], $0x80, v3, vm0, $0xb8;
	[tilespmem:$0x1F900] =	vst v63  }
0x86: {  	s19 =	simm.s32 $0xE900  }
0x87: {  	[tilespmem:s19], [sflag:$0x2] =	stream.indirect_vreg.gather [hbm4b:s6+s3], $0x80, v3, vm0, $0xb8;
	[tilespmem:$0x1F900] =	vst v63  }
0x88: {  	v3 =	vld.msk [tilespmem:$0x48], $0xff;
	_ =	sdelay $0x4  }
0x89: {  	v60 =	vshrl.u32 v3, $0x3  }
0x8a: {  	v4 =	vmul.u32 $0x30, v60  }
0x8b: {  	v3 =	vand.u32 $0x7, v3  }
0x8c: {  	v3 =	vor.u32 v3, v4  }
0x8d: {  	v3 =	vperm.xlane v3, v0;
	_ =	sdelay $0x1  }
0x8e: {  	v3 =	vadd.s32 v1, v3;
	_ =	sdelay $0x3  }
0x8f: {  	s20 =	simm.s32 $0xF100  }
0x90: {  	[tilespmem:s20], [sflag:$0x2] =	stream.indirect_vreg.gather [hbm4b:s2+s3], $0x80, v3, vm0, $0xb8;
	[tilespmem:$0x1F900] =	vst v63  }
0x91: {  	s19 =	simm.s32 $0xF900  }
0x92: {  	[tilespmem:s19], [sflag:$0x2] =	stream.indirect_vreg.gather [hbm4b:s5+s3], $0x80, v3, vm0, $0xb8;
	[tilespmem:$0x1F900] =	vst v63  }
0x93: {  	s20 =	simm.s32 $0x10100  }
0x94: {  	[tilespmem:s20], [sflag:$0x2] =	stream.indirect_vreg.gather [hbm4b:s6+s3], $0x80, v3, vm0, $0xb8;
	[tilespmem:$0x1F900] =	vst v63  }
0x95: {  	v3 =	vld [tilespmem:$0x50];
	_ =	sdelay $0x4  }
0x96: {  	v61 =	vshrl.u32 v3, $0x3  }
0x97: {  	v4 =	vmul.u32 $0x30, v61  }
0x98: {  	v3 =	vand.u32 $0x7, v3  }
0x99: {  	v3 =	vor.u32 v3, v4  }
0x9a: {  	v4 =	vperm.xlane v3, v0;
	_ =	sdelay $0x1  }
0x9b: {  	v4 =	vadd.s32 v1, v4;
	_ =	sdelay $0x3  }
0x9c: {  	v3 =	vperm.xlane v3, v2  }
0x9d: {  	[tilespmem:s21], [sflag:$0x3] =	stream.indirect_vreg.gather [hbm4b:s2+s3], $0x80, v4, vm0, $0xb8;
	[tilespmem:$0x1F900] =	vst v63  }
0x9e: {  	s19 =	simm.s32 $0x11100;
	v3 =	vadd.s32 v1, v3  }
0x9f: {  	[tilespmem:s19], [sflag:$0x3] =	stream.indirect_vreg.gather [hbm4b:s5+s3], $0x80, v4, vm0, $0xb8;
	[tilespmem:$0x1F900] =	vst v63  }
0xa0: {  	s20 =	simm.s32 $0x11900  }
0xa1: {  	[tilespmem:s20], [sflag:$0x3] =	stream.indirect_vreg.gather [hbm4b:s6+s3], $0x80, v4, vm0, $0xb8;
	[tilespmem:$0x1F900] =	vst v63  }
0xa2: {  	s19 =	simm.s32 $0x12100  }
0xa3: {  	[tilespmem:s19], [sflag:$0x3] =	stream.indirect_vreg.gather [hbm4b:s2+s3], $0x80, v3, vm0, $0xb8;
	[tilespmem:$0x1F900] =	vst v63  }
0xa4: {  	s20 =	simm.s32 $0x12900  }
0xa5: {  	[tilespmem:s20], [sflag:$0x3] =	stream.indirect_vreg.gather [hbm4b:s5+s3], $0x80, v3, vm0, $0xb8;
	[tilespmem:$0x1F900] =	vst v63  }
0xa6: {  	s19 =	simm.s32 $0x13100  }
0xa7: {  	[tilespmem:s19], [sflag:$0x3] =	stream.indirect_vreg.gather [hbm4b:s6+s3], $0x80, v3, vm0, $0xb8;
	[tilespmem:$0x1F900] =	vst v63  }
0xa8: {  	v3 =	vld [tilespmem:$0x60];
	_ =	sdelay $0x4  }
0xa9: {  	v62 =	vshrl.u32 v3, $0x3  }
0xaa: {  	v4 =	vmul.u32 $0x30, v62  }
0xab: {  	v3 =	vand.u32 $0x7, v3  }
0xac: {  	v3 =	vor.u32 v3, v4  }
0xad: {  	v4 =	vperm.xlane v3, v0;
	_ =	sdelay $0x1  }
0xae: {  	v4 =	vadd.s32 v1, v4;
	_ =	sdelay $0x3  }
0xaf: {  	s20 =	simm.s32 $0x13900;
	v3 =	vperm.xlane v3, v2  }
0xb0: {  	[tilespmem:s20], [sflag:$0x3] =	stream.indirect_vreg.gather [hbm4b:s2+s3], $0x80, v4, vm0, $0xb8;
	[tilespmem:$0x1F900] =	vst v63  }
0xb1: {  	s19 =	simm.s32 $0x14100;
	v3 =	vadd.s32 v1, v3  }
0xb2: {  	[tilespmem:s19], [sflag:$0x3] =	stream.indirect_vreg.gather [hbm4b:s5+s3], $0x80, v4, vm0, $0xb8;
	[tilespmem:$0x1F900] =	vst v63  }
0xb3: {  	s20 =	simm.s32 $0x14900  }
0xb4: {  	[tilespmem:s20], [sflag:$0x3] =	stream.indirect_vreg.gather [hbm4b:s6+s3], $0x80, v4, vm0, $0xb8;
	[tilespmem:$0x1F900] =	vst v63  }
0xb5: {  	s19 =	simm.s32 $0x15100  }
0xb6: {  	[tilespmem:s19], [sflag:$0x3] =	stream.indirect_vreg.gather [hbm4b:s2+s3], $0x80, v3, vm0, $0xb8;
	[tilespmem:$0x1F900] =	vst v63  }
0xb7: {  	s20 =	simm.s32 $0x15900  }
0xb8: {  	[tilespmem:s20], [sflag:$0x3] =	stream.indirect_vreg.gather [hbm4b:s5+s3], $0x80, v3, vm0, $0xb8;
	[tilespmem:$0x1F900] =	vst v63  }
0xb9: {  	s19 =	simm.s32 $0x16100  }
0xba: {  	[tilespmem:s19], [sflag:$0x3] =	stream.indirect_vreg.gather [hbm4b:s6+s3], $0x80, v3, vm0, $0xb8;
	[tilespmem:$0x1F900] =	vst v63  }
0xbb: {  	v3 =	vld.msk [tilespmem:$0x70], $0xff;
	_ =	sdelay $0x4  }
0xbc: {  	v63 =	vshrl.u32 v3, $0x3  }
0xbd: {  	v4 =	vmul.u32 $0x30, v63  }
0xbe: {  	v3 =	vand.u32 $0x7, v3  }
0xbf: {  	v3 =	vor.u32 v3, v4  }
0xc0: {  	v3 =	vperm.xlane v3, v0;
	_ =	sdelay $0x1  }
0xc1: {  	v3 =	vadd.s32 v1, v3;
	_ =	sdelay $0x3  }
0xc2: {  	s20 =	simm.s32 $0x16900  }
0xc3: {  	[tilespmem:s20], [sflag:$0x3] =	stream.indirect_vreg.gather [hbm4b:s2+s3], $0x80, v3, vm0, $0xb8;
	[tilespmem:$0x1F900] =	vst v63  }
.Ltmp2:
0xc4: {  	_ = 	snop;
	(pc) =	sbr.rel .LBB2_2-.Ltmp2, $4  }
0xc5: {  	s19 =	simm.s32 $0x17100  }
0xc6: {  	[tilespmem:s19], [sflag:$0x3] =	stream.indirect_vreg.gather [hbm4b:s5+s3], $0x80, v3, vm0, $0xb8;
	[tilespmem:$0x1F900] =	vst v63  }
0xc7: {  	s18 =	simm.s32 $0x88;
	s20 =	simm.s32 $0x17900;
	s19 =	simm.s32 $0x0  }
0xc8: {  	[tilespmem:s20], [sflag:$0x3] =	stream.indirect_vreg.gather [hbm4b:s6+s3], $0x80, v3, vm0, $0xb8;
	[tilespmem:$0x1F900] =	vst v63  }
.LBB2_8:
0xc9: {  	s20 =	sadd.s32 s19, s8;
	s19 =	sadd.s32 $0x3C00, s19  }
0xca: {  	p0 =	sne.s32 s19, $0x96000  }
.Ltmp3:
0xcb: {  	_ = 	snop;
	(pc) =	sbr.rel @!p0 .LBB2_9-.Ltmp3, $4  }
0xcc: {  	_ =	swait.ge [sflag:s12], $0x7800  }
0xcd: {  	[sflag:s12] =	ssyncset.done $0x0  }
0xce: {  	s18 =	sadd.s32 $0xA0, s18;
	[sflag:s12] =	ssyncadd.s32 $0xFFFF8800  }
0xcf: {  	[hbm4b:s20+s3] =	stream.linear.scatter [tilespmem:s15], [sflag:$0x8], $0x7800, $0x38;
	[tilespmem:$0x1F900] =	vst v63  }
.LBB2_2:
0xd0: {  	p0 =	seq.s32 s19, $0x0  }
0xd1: {  	s20 =	simm.s32 @!p0 $0x8  }
0xd2: {  	_ =	swait.ge @!p0 [sflag:s20], $0x7800  }
0xd3: {  	[sflag:s20] =	ssyncset.done @!p0 $0x0  }
0xd4: {  	[sflag:s20] =	ssyncadd.s32 @!p0 $0xFFFF8800  }
0xd5: {  	v3 =	vld [tilespmem:s18+$0xFFFFFFF0];
	_ =	sdelay $0x4  }
0xd6: {  	v4 =	vshrl.u32 v3, $0x3  }
0xd7: {  	v4 =	vmul.u32 $0x30, v4  }
0xd8: {  	v3 =	vand.u32 $0x7, v3  }
0xd9: {  	v3 =	vor.u32 v3, v4  }
0xda: {  	v4 =	vperm.xlane v3, v0;
	_ =	sdelay $0x1  }
0xdb: {  	v4 =	vadd.s32 v1, v4;
	_ =	sdelay $0x3  }
0xdc: {  	v3 =	vperm.xlane v3, v2  }
0xdd: {  	[tilespmem:s15], [sflag:$0x4] =	stream.indirect_vreg.gather [hbm4b:s2+s3], $0x80, v4, vm0, $0xb8;
	[tilespmem:$0x1F900] =	vst v63  }
0xde: {  	s20 =	simm.s32 $0x18900;
	v3 =	vadd.s32 v1, v3  }
0xdf: {  	[tilespmem:s20], [sflag:$0x4] =	stream.indirect_vreg.gather [hbm4b:s5+s3], $0x80, v4, vm0, $0xb8;
	[tilespmem:$0x1F900] =	vst v63  }
0xe0: {  	s20 =	simm.s32 $0x19100  }
0xe1: {  	[tilespmem:s20], [sflag:$0x4] =	stream.indirect_vreg.gather [hbm4b:s6+s3], $0x80, v4, vm0, $0xb8;
	[tilespmem:$0x1F900] =	vst v63  }
0xe2: {  	s20 =	simm.s32 $0x19900  }
0xe3: {  	[tilespmem:s20], [sflag:$0x4] =	stream.indirect_vreg.gather [hbm4b:s2+s3], $0x80, v3, vm0, $0xb8;
	[tilespmem:$0x1F900] =	vst v63  }
0xe4: {  	s20 =	simm.s32 $0x1A100  }
0xe5: {  	[tilespmem:s20], [sflag:$0x4] =	stream.indirect_vreg.gather [hbm4b:s5+s3], $0x80, v3, vm0, $0xb8;
	[tilespmem:$0x1F900] =	vst v63  }
0xe6: {  	s20 =	simm.s32 $0x1A900  }
0xe7: {  	[tilespmem:s20], [sflag:$0x4] =	stream.indirect_vreg.gather [hbm4b:s6+s3], $0x80, v3, vm0, $0xb8;
	[tilespmem:$0x1F900] =	vst v63  }
0xe8: {  	v3 =	vld [tilespmem:s18+$0x0];
	_ =	sdelay $0x4  }
0xe9: {  	v62 =	vshrl.u32 v3, $0x3  }
0xea: {  	v4 =	vmul.u32 $0x30, v62  }
0xeb: {  	v3 =	vand.u32 $0x7, v3  }
0xec: {  	v3 =	vor.u32 v3, v4  }
0xed: {  	v4 =	vperm.xlane v3, v0;
	_ =	sdelay $0x1  }
0xee: {  	v4 =	vadd.s32 v1, v4;
	_ =	sdelay $0x3  }
0xef: {  	v3 =	vperm.xlane v3, v2  }
0xf0: {  	[tilespmem:s22], [sflag:$0x4] =	stream.indirect_vreg.gather [hbm4b:s2+s3], $0x80, v4, vm0, $0xb8;
	[tilespmem:$0x1F900] =	vst v63  }
0xf1: {  	v3 =	vadd.s32 v1, v3  }
0xf2: {  	[tilespmem:s23], [sflag:$0x4] =	stream.indirect_vreg.gather [hbm4b:s5+s3], $0x80, v4, vm0, $0xb8;
	[tilespmem:$0x1F900] =	vst v63  }
0xf3: {  	_ = 	snop  }
0xf4: {  	[tilespmem:s24], [sflag:$0x4] =	stream.indirect_vreg.gather [hbm4b:s6+s3], $0x80, v4, vm0, $0xb8;
	[tilespmem:$0x1F900] =	vst v63  }
0xf5: {  	_ = 	snop  }
0xf6: {  	[tilespmem:s25], [sflag:$0x4] =	stream.indirect_vreg.gather [hbm4b:s2+s3], $0x80, v3, vm0, $0xb8;
	[tilespmem:$0x1F900] =	vst v63  }
0xf7: {  	_ = 	snop  }
0xf8: {  	[tilespmem:s26], [sflag:$0x4] =	stream.indirect_vreg.gather [hbm4b:s5+s3], $0x80, v3, vm0, $0xb8;
	[tilespmem:$0x1F900] =	vst v63  }
0xf9: {  	_ = 	snop  }
0xfa: {  	[tilespmem:s28], [sflag:$0x4] =	stream.indirect_vreg.gather [hbm4b:s6+s3], $0x80, v3, vm0, $0xb8;
	[tilespmem:$0x1F900] =	vst v63  }
0xfb: {  	v3 =	vld.msk [tilespmem:s18+$0x10], $0xff;
	_ =	sdelay $0x4  }
0xfc: {  	v63 =	vshrl.u32 v3, $0x3  }
0xfd: {  	v4 =	vmul.u32 $0x30, v63  }
0xfe: {  	v3 =	vand.u32 $0x7, v3  }
0xff: {  	v3 =	vor.u32 v3, v4  }
0x100: {  	v3 =	vperm.xlane v3, v0;
	_ =	sdelay $0x1  }
0x101: {  	v3 =	vadd.s32 v1, v3;
	_ =	sdelay $0x4  }
0x102: {  	[tilespmem:s30], [sflag:$0x4] =	stream.indirect_vreg.gather [hbm4b:s2+s3], $0x80, v3, vm0, $0xb8;
	[tilespmem:$0x1F900] =	vst v63  }
0x103: {  	_ = 	snop  }
0x104: {  	[tilespmem:s31], [sflag:$0x4] =	stream.indirect_vreg.gather [hbm4b:s5+s3], $0x80, v3, vm0, $0xb8;
	[tilespmem:$0x1F900] =	vst v63  }
0x105: {  	p0 =	seq.s32 s19, $0x92400  }
0x106: {  	[tilespmem:s0], [sflag:$0x4] =	stream.indirect_vreg.gather [hbm4b:s6+s3], $0x80, v3, vm0, $0xb8;
	[tilespmem:$0x1F900] =	vst v63  }
.Ltmp4:
0x107: {  	_ = 	snop;
	(pc) =	sbr.rel @p0 .LBB2_4-.Ltmp4, $4  }
0x108: {  	_ =	swait.ge [sflag:s1], $0x7800  }
0x109: {  	[sflag:s1] =	ssyncset.done $0x0  }
0x10a: {  	s20 =	sadd.s32 s19, s9;
	[sflag:s1] =	ssyncadd.s32 $0xFFFF8800  }
0x10b: {  	[hbm4b:s20+s3] =	stream.linear.scatter [tilespmem:s13], [sflag:$0x5], $0x7800, $0x38;
	[tilespmem:$0x1F900] =	vst v63  }
0x10c: {  	_ =	swait.ge [sflag:s14], $0x7800  }
0x10d: {  	[sflag:s14] =	ssyncset.done $0x0  }
0x10e: {  	[sflag:s14] =	ssyncadd.s32 $0xFFFF8800  }
0x10f: {  	v3 =	vld [tilespmem:s18+$0x18];
	_ =	sdelay $0x4  }
0x110: {  	v4 =	vshrl.u32 v3, $0x3  }
0x111: {  	v4 =	vmul.u32 $0x30, v4  }
0x112: {  	v3 =	vand.u32 $0x7, v3  }
0x113: {  	v3 =	vor.u32 v3, v4  }
0x114: {  	v4 =	vperm.xlane v3, v0;
	_ =	sdelay $0x1  }
0x115: {  	v4 =	vadd.s32 v1, v4;
	_ =	sdelay $0x3  }
0x116: {  	v3 =	vperm.xlane v3, v2  }
0x117: {  	[tilespmem:s13], [sflag:$0x1] =	stream.indirect_vreg.gather [hbm4b:s2+s3], $0x80, v4, vm0, $0xb8;
	[tilespmem:$0x1F900] =	vst v63  }
0x118: {  	s20 =	simm.s32 $0x2100;
	v3 =	vadd.s32 v1, v3  }
0x119: {  	[tilespmem:s20], [sflag:$0x1] =	stream.indirect_vreg.gather [hbm4b:s5+s3], $0x80, v4, vm0, $0xb8;
	[tilespmem:$0x1F900] =	vst v63  }
0x11a: {  	s20 =	simm.s32 $0x2900  }
0x11b: {  	[tilespmem:s20], [sflag:$0x1] =	stream.indirect_vreg.gather [hbm4b:s6+s3], $0x80, v4, vm0, $0xb8;
	[tilespmem:$0x1F900] =	vst v63  }
0x11c: {  	s20 =	simm.s32 $0x3100  }
0x11d: {  	[tilespmem:s20], [sflag:$0x1] =	stream.indirect_vreg.gather [hbm4b:s2+s3], $0x80, v3, vm0, $0xb8;
	[tilespmem:$0x1F900] =	vst v63  }
0x11e: {  	s20 =	simm.s32 $0x3900  }
0x11f: {  	[tilespmem:s20], [sflag:$0x1] =	stream.indirect_vreg.gather [hbm4b:s5+s3], $0x80, v3, vm0, $0xb8;
	[tilespmem:$0x1F900] =	vst v63  }
0x120: {  	s20 =	simm.s32 $0x4100  }
0x121: {  	[tilespmem:s20], [sflag:$0x1] =	stream.indirect_vreg.gather [hbm4b:s6+s3], $0x80, v3, vm0, $0xb8;
	[tilespmem:$0x1F900] =	vst v63  }
0x122: {  	v3 =	vld [tilespmem:s18+$0x28];
	_ =	sdelay $0x4  }
0x123: {  	v62 =	vshrl.u32 v3, $0x3  }
0x124: {  	v4 =	vmul.u32 $0x30, v62  }
0x125: {  	v3 =	vand.u32 $0x7, v3  }
0x126: {  	v3 =	vor.u32 v3, v4  }
0x127: {  	v4 =	vperm.xlane v3, v0;
	_ =	sdelay $0x1  }
0x128: {  	v4 =	vadd.s32 v1, v4;
	_ =	sdelay $0x3  }
0x129: {  	s20 =	simm.s32 $0x4900;
	v3 =	vperm.xlane v3, v2  }
0x12a: {  	[tilespmem:s20], [sflag:$0x1] =	stream.indirect_vreg.gather [hbm4b:s2+s3], $0x80, v4, vm0, $0xb8;
	[tilespmem:$0x1F900] =	vst v63  }
0x12b: {  	v3 =	vadd.s32 v1, v3;
	s20 =	simm.s32 $0x5100  }
0x12c: {  	[tilespmem:s20], [sflag:$0x1] =	stream.indirect_vreg.gather [hbm4b:s5+s3], $0x80, v4, vm0, $0xb8;
	[tilespmem:$0x1F900] =	vst v63  }
0x12d: {  	s20 =	simm.s32 $0x5900  }
0x12e: {  	[tilespmem:s20], [sflag:$0x1] =	stream.indirect_vreg.gather [hbm4b:s6+s3], $0x80, v4, vm0, $0xb8;
	[tilespmem:$0x1F900] =	vst v63  }
0x12f: {  	s20 =	simm.s32 $0x6100  }
0x130: {  	[tilespmem:s20], [sflag:$0x1] =	stream.indirect_vreg.gather [hbm4b:s2+s3], $0x80, v3, vm0, $0xb8;
	[tilespmem:$0x1F900] =	vst v63  }
0x131: {  	s20 =	simm.s32 $0x6900  }
0x132: {  	[tilespmem:s20], [sflag:$0x1] =	stream.indirect_vreg.gather [hbm4b:s5+s3], $0x80, v3, vm0, $0xb8;
	[tilespmem:$0x1F900] =	vst v63  }
0x133: {  	s20 =	simm.s32 $0x7100  }
0x134: {  	[tilespmem:s20], [sflag:$0x1] =	stream.indirect_vreg.gather [hbm4b:s6+s3], $0x80, v3, vm0, $0xb8;
	[tilespmem:$0x1F900] =	vst v63  }
0x135: {  	v3 =	vld.msk [tilespmem:s18+$0x38], $0xff;
	_ =	sdelay $0x4  }
0x136: {  	v63 =	vshrl.u32 v3, $0x3  }
0x137: {  	v4 =	vmul.u32 $0x30, v63  }
0x138: {  	v3 =	vand.u32 $0x7, v3  }
0x139: {  	v3 =	vor.u32 v3, v4  }
0x13a: {  	v3 =	vperm.xlane v3, v0;
	_ =	sdelay $0x1  }
0x13b: {  	v3 =	vadd.s32 v1, v3;
	_ =	sdelay $0x3  }
0x13c: {  	s20 =	simm.s32 $0x7900  }
0x13d: {  	[tilespmem:s20], [sflag:$0x1] =	stream.indirect_vreg.gather [hbm4b:s2+s3], $0x80, v3, vm0, $0xb8;
	[tilespmem:$0x1F900] =	vst v63  }
0x13e: {  	s20 =	simm.s32 $0x8100  }
0x13f: {  	[tilespmem:s20], [sflag:$0x1] =	stream.indirect_vreg.gather [hbm4b:s5+s3], $0x80, v3, vm0, $0xb8;
	[tilespmem:$0x1F900] =	vst v63  }
0x140: {  	s20 =	simm.s32 $0x8900  }
0x141: {  	[tilespmem:s20], [sflag:$0x1] =	stream.indirect_vreg.gather [hbm4b:s6+s3], $0x80, v3, vm0, $0xb8;
	[tilespmem:$0x1F900] =	vst v63  }
.LBB2_4:
.Ltmp5:
0x142: {  	(pc) =	sbr.rel @p0 .LBB2_6-.Ltmp5, $4  }
0x143: {  	_ =	swait.ge [sflag:s4], $0x7800  }
0x144: {  	[sflag:s4] =	ssyncset.done $0x0  }
0x145: {  	s20 =	sadd.s32 s19, s10;
	[sflag:s4] =	ssyncadd.s32 $0xFFFF8800  }
0x146: {  	[hbm4b:s20+s3] =	stream.linear.scatter [tilespmem:s29], [sflag:$0x6], $0x7800, $0x38;
	[tilespmem:$0x1F900] =	vst v63  }
0x147: {  	_ =	swait.ge [sflag:s16], $0x7800  }
0x148: {  	[sflag:s16] =	ssyncset.done $0x0  }
0x149: {  	[sflag:s16] =	ssyncadd.s32 $0xFFFF8800  }
0x14a: {  	v3 =	vld [tilespmem:s18+$0x40];
	_ =	sdelay $0x4  }
0x14b: {  	v4 =	vshrl.u32 v3, $0x3  }
0x14c: {  	v4 =	vmul.u32 $0x30, v4  }
0x14d: {  	v3 =	vand.u32 $0x7, v3  }
0x14e: {  	v3 =	vor.u32 v3, v4  }
0x14f: {  	v4 =	vperm.xlane v3, v0;
	_ =	sdelay $0x1  }
0x150: {  	v4 =	vadd.s32 v1, v4;
	_ =	sdelay $0x3  }
0x151: {  	v3 =	vperm.xlane v3, v2  }
0x152: {  	[tilespmem:s29], [sflag:$0x2] =	stream.indirect_vreg.gather [hbm4b:s2+s3], $0x80, v4, vm0, $0xb8;
	[tilespmem:$0x1F900] =	vst v63  }
0x153: {  	s20 =	simm.s32 $0x9900;
	v3 =	vadd.s32 v1, v3  }
0x154: {  	[tilespmem:s20], [sflag:$0x2] =	stream.indirect_vreg.gather [hbm4b:s5+s3], $0x80, v4, vm0, $0xb8;
	[tilespmem:$0x1F900] =	vst v63  }
0x155: {  	s20 =	simm.s32 $0xA100  }
0x156: {  	[tilespmem:s20], [sflag:$0x2] =	stream.indirect_vreg.gather [hbm4b:s6+s3], $0x80, v4, vm0, $0xb8;
	[tilespmem:$0x1F900] =	vst v63  }
0x157: {  	s20 =	simm.s32 $0xA900  }
0x158: {  	[tilespmem:s20], [sflag:$0x2] =	stream.indirect_vreg.gather [hbm4b:s2+s3], $0x80, v3, vm0, $0xb8;
	[tilespmem:$0x1F900] =	vst v63  }
0x159: {  	s20 =	simm.s32 $0xB100  }
0x15a: {  	[tilespmem:s20], [sflag:$0x2] =	stream.indirect_vreg.gather [hbm4b:s5+s3], $0x80, v3, vm0, $0xb8;
	[tilespmem:$0x1F900] =	vst v63  }
0x15b: {  	s20 =	simm.s32 $0xB900  }
0x15c: {  	[tilespmem:s20], [sflag:$0x2] =	stream.indirect_vreg.gather [hbm4b:s6+s3], $0x80, v3, vm0, $0xb8;
	[tilespmem:$0x1F900] =	vst v63  }
0x15d: {  	v3 =	vld [tilespmem:s18+$0x50];
	_ =	sdelay $0x4  }
0x15e: {  	v62 =	vshrl.u32 v3, $0x3  }
0x15f: {  	v4 =	vmul.u32 $0x30, v62  }
0x160: {  	v3 =	vand.u32 $0x7, v3  }
0x161: {  	v3 =	vor.u32 v3, v4  }
0x162: {  	v4 =	vperm.xlane v3, v0;
	_ =	sdelay $0x1  }
0x163: {  	v4 =	vadd.s32 v1, v4;
	_ =	sdelay $0x3  }
0x164: {  	s20 =	simm.s32 $0xC100;
	v3 =	vperm.xlane v3, v2  }
0x165: {  	[tilespmem:s20], [sflag:$0x2] =	stream.indirect_vreg.gather [hbm4b:s2+s3], $0x80, v4, vm0, $0xb8;
	[tilespmem:$0x1F900] =	vst v63  }
0x166: {  	v3 =	vadd.s32 v1, v3;
	s20 =	simm.s32 $0xC900  }
0x167: {  	[tilespmem:s20], [sflag:$0x2] =	stream.indirect_vreg.gather [hbm4b:s5+s3], $0x80, v4, vm0, $0xb8;
	[tilespmem:$0x1F900] =	vst v63  }
0x168: {  	s20 =	simm.s32 $0xD100  }
0x169: {  	[tilespmem:s20], [sflag:$0x2] =	stream.indirect_vreg.gather [hbm4b:s6+s3], $0x80, v4, vm0, $0xb8;
	[tilespmem:$0x1F900] =	vst v63  }
0x16a: {  	s20 =	simm.s32 $0xD900  }
0x16b: {  	[tilespmem:s20], [sflag:$0x2] =	stream.indirect_vreg.gather [hbm4b:s2+s3], $0x80, v3, vm0, $0xb8;
	[tilespmem:$0x1F900] =	vst v63  }
0x16c: {  	s20 =	simm.s32 $0xE100  }
0x16d: {  	[tilespmem:s20], [sflag:$0x2] =	stream.indirect_vreg.gather [hbm4b:s5+s3], $0x80, v3, vm0, $0xb8;
	[tilespmem:$0x1F900] =	vst v63  }
0x16e: {  	s20 =	simm.s32 $0xE900  }
0x16f: {  	[tilespmem:s20], [sflag:$0x2] =	stream.indirect_vreg.gather [hbm4b:s6+s3], $0x80, v3, vm0, $0xb8;
	[tilespmem:$0x1F900] =	vst v63  }
0x170: {  	v3 =	vld.msk [tilespmem:s18+$0x60], $0xff;
	_ =	sdelay $0x4  }
0x171: {  	v63 =	vshrl.u32 v3, $0x3  }
0x172: {  	v4 =	vmul.u32 $0x30, v63  }
0x173: {  	v3 =	vand.u32 $0x7, v3  }
0x174: {  	v3 =	vor.u32 v3, v4  }
0x175: {  	v3 =	vperm.xlane v3, v0;
	_ =	sdelay $0x1  }
0x176: {  	v3 =	vadd.s32 v1, v3;
	_ =	sdelay $0x3  }
0x177: {  	s20 =	simm.s32 $0xF100  }
0x178: {  	[tilespmem:s20], [sflag:$0x2] =	stream.indirect_vreg.gather [hbm4b:s2+s3], $0x80, v3, vm0, $0xb8;
	[tilespmem:$0x1F900] =	vst v63  }
0x179: {  	s20 =	simm.s32 $0xF900  }
0x17a: {  	[tilespmem:s20], [sflag:$0x2] =	stream.indirect_vreg.gather [hbm4b:s5+s3], $0x80, v3, vm0, $0xb8;
	[tilespmem:$0x1F900] =	vst v63  }
0x17b: {  	s20 =	simm.s32 $0x10100  }
0x17c: {  	[tilespmem:s20], [sflag:$0x2] =	stream.indirect_vreg.gather [hbm4b:s6+s3], $0x80, v3, vm0, $0xb8;
	[tilespmem:$0x1F900] =	vst v63  }
.LBB2_6:
.Ltmp6:
0x17d: {  	(pc) =	sbr.rel @p0 .LBB2_8-.Ltmp6, $4  }
0x17e: {  	_ =	swait.ge [sflag:s7], $0x7800  }
0x17f: {  	[sflag:s7] =	ssyncset.done $0x0  }
0x180: {  	s20 =	sadd.s32 s19, s11;
	[sflag:s7] =	ssyncadd.s32 $0xFFFF8800  }
0x181: {  	[hbm4b:s20+s3] =	stream.linear.scatter [tilespmem:s21], [sflag:$0x7], $0x7800, $0x38;
	[tilespmem:$0x1F900] =	vst v63  }
0x182: {  	_ =	swait.ge [sflag:s17], $0x7800  }
0x183: {  	[sflag:s17] =	ssyncset.done $0x0  }
0x184: {  	[sflag:s17] =	ssyncadd.s32 $0xFFFF8800  }
0x185: {  	v3 =	vld [tilespmem:s18+$0x68];
	_ =	sdelay $0x4  }
0x186: {  	v4 =	vshrl.u32 v3, $0x3  }
0x187: {  	v4 =	vmul.u32 $0x30, v4  }
0x188: {  	v3 =	vand.u32 $0x7, v3  }
0x189: {  	v3 =	vor.u32 v3, v4  }
0x18a: {  	v4 =	vperm.xlane v3, v0;
	_ =	sdelay $0x1  }
0x18b: {  	v4 =	vadd.s32 v1, v4;
	_ =	sdelay $0x3  }
0x18c: {  	v3 =	vperm.xlane v3, v2  }
0x18d: {  	[tilespmem:s21], [sflag:$0x3] =	stream.indirect_vreg.gather [hbm4b:s2+s3], $0x80, v4, vm0, $0xb8;
	[tilespmem:$0x1F900] =	vst v63  }
0x18e: {  	s20 =	simm.s32 $0x11100;
	v3 =	vadd.s32 v1, v3  }
0x18f: {  	[tilespmem:s20], [sflag:$0x3] =	stream.indirect_vreg.gather [hbm4b:s5+s3], $0x80, v4, vm0, $0xb8;
	[tilespmem:$0x1F900] =	vst v63  }
0x190: {  	s20 =	simm.s32 $0x11900  }
0x191: {  	[tilespmem:s20], [sflag:$0x3] =	stream.indirect_vreg.gather [hbm4b:s6+s3], $0x80, v4, vm0, $0xb8;
	[tilespmem:$0x1F900] =	vst v63  }
0x192: {  	s20 =	simm.s32 $0x12100  }
0x193: {  	[tilespmem:s20], [sflag:$0x3] =	stream.indirect_vreg.gather [hbm4b:s2+s3], $0x80, v3, vm0, $0xb8;
	[tilespmem:$0x1F900] =	vst v63  }
0x194: {  	s20 =	simm.s32 $0x12900  }
0x195: {  	[tilespmem:s20], [sflag:$0x3] =	stream.indirect_vreg.gather [hbm4b:s5+s3], $0x80, v3, vm0, $0xb8;
	[tilespmem:$0x1F900] =	vst v63  }
0x196: {  	s20 =	simm.s32 $0x13100  }
0x197: {  	[tilespmem:s20], [sflag:$0x3] =	stream.indirect_vreg.gather [hbm4b:s6+s3], $0x80, v3, vm0, $0xb8;
	[tilespmem:$0x1F900] =	vst v63  }
0x198: {  	v3 =	vld [tilespmem:s18+$0x78];
	_ =	sdelay $0x4  }
0x199: {  	v62 =	vshrl.u32 v3, $0x3  }
0x19a: {  	v4 =	vmul.u32 $0x30, v62  }
0x19b: {  	v3 =	vand.u32 $0x7, v3  }
0x19c: {  	v3 =	vor.u32 v3, v4  }
0x19d: {  	v4 =	vperm.xlane v3, v0;
	_ =	sdelay $0x1  }
0x19e: {  	v4 =	vadd.s32 v1, v4;
	_ =	sdelay $0x3  }
0x19f: {  	s20 =	simm.s32 $0x13900;
	v3 =	vperm.xlane v3, v2  }
0x1a0: {  	[tilespmem:s20], [sflag:$0x3] =	stream.indirect_vreg.gather [hbm4b:s2+s3], $0x80, v4, vm0, $0xb8;
	[tilespmem:$0x1F900] =	vst v63  }
0x1a1: {  	v3 =	vadd.s32 v1, v3;
	s20 =	simm.s32 $0x14100  }
0x1a2: {  	[tilespmem:s20], [sflag:$0x3] =	stream.indirect_vreg.gather [hbm4b:s5+s3], $0x80, v4, vm0, $0xb8;
	[tilespmem:$0x1F900] =	vst v63  }
0x1a3: {  	s20 =	simm.s32 $0x14900  }
0x1a4: {  	[tilespmem:s20], [sflag:$0x3] =	stream.indirect_vreg.gather [hbm4b:s6+s3], $0x80, v4, vm0, $0xb8;
	[tilespmem:$0x1F900] =	vst v63  }
0x1a5: {  	s20 =	simm.s32 $0x15100  }
0x1a6: {  	[tilespmem:s20], [sflag:$0x3] =	stream.indirect_vreg.gather [hbm4b:s2+s3], $0x80, v3, vm0, $0xb8;
	[tilespmem:$0x1F900] =	vst v63  }
0x1a7: {  	s20 =	simm.s32 $0x15900  }
0x1a8: {  	[tilespmem:s20], [sflag:$0x3] =	stream.indirect_vreg.gather [hbm4b:s5+s3], $0x80, v3, vm0, $0xb8;
	[tilespmem:$0x1F900] =	vst v63  }
0x1a9: {  	s20 =	simm.s32 $0x16100  }
0x1aa: {  	[tilespmem:s20], [sflag:$0x3] =	stream.indirect_vreg.gather [hbm4b:s6+s3], $0x80, v3, vm0, $0xb8;
	[tilespmem:$0x1F900] =	vst v63  }
0x1ab: {  	v3 =	vld.msk [tilespmem:s18+$0x88], $0xff;
	_ =	sdelay $0x4  }
0x1ac: {  	v63 =	vshrl.u32 v3, $0x3  }
0x1ad: {  	v4 =	vmul.u32 $0x30, v63  }
0x1ae: {  	v3 =	vand.u32 $0x7, v3  }
0x1af: {  	v3 =	vor.u32 v3, v4  }
0x1b0: {  	v3 =	vperm.xlane v3, v0;
	_ =	sdelay $0x1  }
0x1b1: {  	v3 =	vadd.s32 v1, v3;
	_ =	sdelay $0x3  }
0x1b2: {  	s20 =	simm.s32 $0x16900  }
0x1b3: {  	[tilespmem:s20], [sflag:$0x3] =	stream.indirect_vreg.gather [hbm4b:s2+s3], $0x80, v3, vm0, $0xb8;
	[tilespmem:$0x1F900] =	vst v63  }
.Ltmp7:
0x1b4: {  	_ = 	snop;
	(pc) =	sbr.rel .LBB2_8-.Ltmp7, $4  }
0x1b5: {  	s20 =	simm.s32 $0x17100  }
0x1b6: {  	[tilespmem:s20], [sflag:$0x3] =	stream.indirect_vreg.gather [hbm4b:s5+s3], $0x80, v3, vm0, $0xb8;
	[tilespmem:$0x1F900] =	vst v63  }
0x1b7: {  	s20 =	simm.s32 $0x17900  }
0x1b8: {  	[tilespmem:s20], [sflag:$0x3] =	stream.indirect_vreg.gather [hbm4b:s6+s3], $0x80, v3, vm0, $0xb8;
	[tilespmem:$0x1F900] =	vst v63  }
.LBB2_10:
0x1b9: {  	_ =	sfence.sel $0x180000  }
0x1ba: {  	[bflag:$0x0] =	sbarrier.arrive $0xFFFF  }
0x1bb: {  	_ =	strace $0x90000047  }
0x1bc: {  	s0 =	stileid.u32;
	[bflag:$0x2] =	sbarrier.arrive $0xFFFF  }
0x1bd: {  	p0 =	sne.s32 s0, $0x0;
	s0 =	rddreg [dreg:$0x3]  }
0x1be: {  	s0 =	sadd.s32 @!p0 $0x100000, s0  }
0x1bf: {  	[sflag:s0] =	ssyncadd.tile.s32 @!p0 $0x1;
	_ =	shalt  }
.Lfunc_end2:
_tile_overlayer_lowered:
.L_overlay_start_2:
0x1c0: {  	(tag) =	ssettag $0x2  }
0x1c1: {  	s0 =	rddreg [dreg:$0x0];
	s2 =	stileid.u32  }
0x1c2: {  	s1 =	rddreg [dreg:$0x1];
	p0 =	sne.s32 s2, $0x0  }
0x1c3: {  	s3 =	rddreg [dreg:$0x2];
	[bflag:$0x3] =	sbarrier.arrive $0xFFFF;
	s2 =	simm.s32 @!p0 $0x1C09  }
0x1c4: {  	[timem:s3], [sflag:s2] =	dma.local @!p0 [hbm:s0], s1  }
0x1c5: {  	s0 =	simm.s32 @!p0 $0x9  }
0x1c6: {  	_ =	swait.ge @!p0 [sflag:s0], s1  }
0x1c7: {  	s1 =	ssub.s32 @!p0 $0x0, s1;
	[sflag:s0] =	ssyncset.done @!p0 $0x0  }
0x1c8: {  	[sflag:s0] =	ssyncadd.s32 @!p0 s1  }
0x1c9: {  	[bflag:$0x3] =	sbarrier.arrive $0xFFFF  }
0x1ca: {  	_ =	shalt  }

</sc_bundles>
